<compile_context>
chip_gen: v7x
topology: tpu7x:2x2x1
jax: 0.10.2.dev20260603
libtpu: 0.0.44.dev20260713+nightly
codegen_flags: <defaults>
</compile_context>

<pallas_src>
import functools

import jax
import jax.numpy as jnp
from jax import lax
from jax.experimental import pallas as pl
from jax.experimental.pallas import tpu as pltpu
from jax.experimental.pallas import tpu_sc as plsc


def _make_sc_aggregate(N, E, D):
  info = plsc.get_sparse_core_info()
  NC, NS = info.num_cores, info.num_subcores
  NW = NC * NS
  per_tile = E // NW
  NSTAGE = 4
  C = next(c for c in range(128, 0, -1)
           if per_tile % (NSTAGE * c) == 0
           and (per_tile // (NSTAGE * c)) * 128 * 2 + 3 * c * D <= 45000)
  n_q = per_tile // (NSTAGE * C)
  R8 = (N // NS) & ~7
  rem = N - NS * R8

  mesh = plsc.VectorSubcoreMesh(core_axis_name="c", subcore_axis_name="s")

  @functools.partial(
      pl.kernel,
      out_type=jax.ShapeDtypeStruct((NC, N, D), jnp.float32),
      mesh=mesh,
      scratch_types=[
          pltpu.VMEM((n_q, C), jnp.int32),
          pltpu.VMEM((n_q, C), jnp.int32),
          pltpu.VMEM((C, D), jnp.float32),
          pltpu.VMEM((C, D), jnp.float32),
          pltpu.VMEM((C, D), jnp.float32),
          pltpu.VMEM_SHARED((N, D), jnp.float32),
          pltpu.SemaphoreType.DMA,
          pltpu.SemaphoreType.DMA,
          pltpu.SemaphoreType.DMA,
      ],
  )
  def agg(x_hbm, e_hbm, out_hbm, src_q, dst_q, rows_0, rows_1, rows_2,
          acc, sem_0, sem_1, sem_2):
    cid = lax.axis_index("c")
    sid = lax.axis_index("s")
    wid = cid * NS + sid
    bufs = ((rows_0, sem_0), (rows_1, sem_1), (rows_2, sem_2))

    def gather(j, b):
      return pltpu.async_copy(x_hbm.at[src_q.at[j]], bufs[b][0], bufs[b][1])

    def wait_gather(j, b):
      pltpu.make_async_copy(x_hbm.at[src_q.at[j]], bufs[b][0],
                            bufs[b][1]).wait()

    def scatter(j, b):
      pltpu.sync_copy(bufs[b][0], acc.at[dst_q.at[j]], add=True)

    pltpu.sync_copy(e_hbm.at[0, wid, 0], src_q)
    pltpu.sync_copy(e_hbm.at[1, wid, 0], dst_q)
    gather(0, 0)
    if n_q > 1:
      gather(1, 1)

    zrows = (C // 8) * 8
    zero = jnp.zeros((16,), jnp.float32)

    @pl.loop(0, zrows)
    def _(r):
      for cc in range(D // 16):
        rows_2[r, pl.ds(cc * 16, 16)] = zero

    def zero_fill(base_row, nrows):
      full, last = nrows // zrows, nrows % zrows
      for k in range(full):
        pltpu.sync_copy(rows_2.at[pl.ds(0, zrows)],
                        acc.at[pl.ds(base_row + k * zrows, zrows)])
      if last:
        pltpu.sync_copy(rows_2.at[pl.ds(0, last)],
                        acc.at[pl.ds(base_row + full * zrows, last)])

    zero_fill(sid * R8, R8)
    if rem:
      @pl.when(sid == 0)
      def _():
        zero_fill(NS * R8, rem)
    stripe = pl.ds(sid * R8, R8)
    plsc.subcore_barrier()

    for q in range(NSTAGE):
      if q:
        pltpu.sync_copy(e_hbm.at[0, wid, q], src_q)
        pltpu.sync_copy(e_hbm.at[1, wid, q], dst_q)
        gather(0, 0)
        if n_q > 1:
          gather(1, 1)

      @pl.loop(0, n_q, step=3)
      def _(j):
        wait_gather(j, 0)

        @pl.when(j + 2 < n_q)
        def _():
          gather(j + 2, 2)

        scatter(j, 0)

        @pl.when(j + 1 < n_q)
        def _():
          wait_gather(j + 1, 1)

          @pl.when(j + 3 < n_q)
          def _():
            gather(j + 3, 0)

          scatter(j + 1, 1)

        @pl.when(j + 2 < n_q)
        def _():
          wait_gather(j + 2, 2)

          @pl.when(j + 4 < n_q)
          def _():
            gather(j + 4, 1)

          scatter(j + 2, 2)

    plsc.subcore_barrier()
    pltpu.sync_copy(acc.at[stripe], out_hbm.at[cid, stripe])
    if rem:
      @pl.when(sid == 0)
      def _():
        tail = pl.ds(NS * R8, rem)
        pltpu.sync_copy(acc.at[tail], out_hbm.at[cid, tail])

  return agg, NW, NSTAGE, n_q, C


def _mlp(x, accs, W1, b1, W2, b2, scale):
  N, D = x.shape
  H = W2.shape[1]
  BN = 5000
  grid = N // BN

  def body(x_ref, a_ref, w1_ref, b1_ref, w2_ref, b2_ref, s_ref, o_ref):
    xb = x_ref[...]
    t = a_ref[0] + a_ref[1] + xb
    h = jnp.dot(t, w1_ref[...], preferred_element_type=jnp.float32)
    h = jnp.maximum(h + b1_ref[...], 0.0)
    h = jnp.dot(h, w2_ref[...], preferred_element_type=jnp.float32)
    h = jnp.maximum(h + b2_ref[...], 0.0)
    o_ref[...] = h + s_ref[0] * xb

  return pl.pallas_call(
      body,
      grid=(grid,),
      in_specs=[
          pl.BlockSpec((BN, D), lambda i: (i, 0)),
          pl.BlockSpec((2, BN, D), lambda i: (0, i, 0)),
          pl.BlockSpec((D, H), lambda i: (0, 0)),
          pl.BlockSpec((1, H), lambda i: (0, 0)),
          pl.BlockSpec((H, H), lambda i: (0, 0)),
          pl.BlockSpec((1, H), lambda i: (0, 0)),
          pl.BlockSpec(memory_space=pltpu.SMEM),
      ],
      out_specs=pl.BlockSpec((BN, H), lambda i: (i, 0)),
      out_shape=jax.ShapeDtypeStruct((N, H), jnp.float32),
  )(x, accs, W1, b1.reshape(1, H), W2, b2.reshape(1, H), scale)


def kernel(x, edge_index, W1, b1, W2, b2, epsilon):
  N, D = x.shape
  E = edge_index.shape[1]
  agg, nw, nstage, n_q, c = _make_sc_aggregate(N, E, D)
  edges = edge_index.reshape(2, nw, nstage, n_q, c)
  accs = agg(x, edges)
  scale = jnp.reshape(1.0 + epsilon, (1,)).astype(jnp.float32)
  return _mlp(x, accs, W1, b1, W2, b2, scale)

# --- scband reference (transcript-rebuilt; emitter-appended) ---
"""Pipeline reference for scband-ginlayer-91130616087333 (READ-ONLY COPY).

The authoritative reference and input builder live on the scoring server;
editing this copy changes nothing except your own understanding.
"""

import jax, jax.numpy as jnp
import numpy as np


def setup_inputs(seed: int = 0) -> dict:
    key = jax.random.key(seed)
    ks = jax.random.split(key, 8)
    N, E, D, H = 10000, 320000, 128, 128
    x = jax.random.normal(ks[0], (N, D), dtype=jnp.float32)
    edge_index = jax.random.randint(ks[1], (2, E), 0, N).astype(jnp.int32)
    # MLP params: Linear(D->H), ReLU, Linear(H->H), ReLU
    W1 = jax.random.normal(ks[2], (D, H), dtype=jnp.float32) * (1.0 / np.sqrt(D))
    b1 = jnp.zeros((H,), dtype=jnp.float32)
    W2 = jax.random.normal(ks[3], (H, H), dtype=jnp.float32) * (1.0 / np.sqrt(H))
    b2 = jnp.zeros((H,), dtype=jnp.float32)
    epsilon = jnp.array(0.0, dtype=jnp.float32)  # outer learnable epsilon (init 0)
    return {"x": x, "edge_index": edge_index, "W1": W1, "b1": b1, "W2": W2, "b2": b2, "epsilon": epsilon}


def reference(x, edge_index, W1, b1, W2, b2, epsilon):
    N = x.shape[0]
    src = edge_index[0]
    dst = edge_index[1]
    # GINConv (inner eps = 0, default): mlp((1+0)*x + sum_{j in N(i)} x_j)
    msgs = jnp.take(x, src, axis=0)            # gather source node features per edge
    aggr = jax.ops.segment_sum(msgs, dst, num_segments=N)  # scatter-add to dst nodes
    h = x + aggr
    h = jax.nn.relu(h @ W1 + b1)
    h = jax.nn.relu(h @ W2 + b2)
    # outer residual: conv(x, edge_index) + (1 + epsilon) * x
    return h + (1.0 + epsilon) * x

if __name__ == "__main__":
    import jax
    _d = setup_inputs()
    print(jax.jit(kernel)(*tuple(_d.values())))

</pallas_src>

<mosaic_0001>
#map = affine_map<(d0, d1) -> (0, 0)>
#map1 = affine_map<(d0, d1) -> (0, 0, 0, 0, 0)>
#map2 = affine_map<(d0, d1) -> (0, 0, 0)>
module attributes {stable_mosaic.version = 14 : i64} {
  func.func @agg(%arg0: i32, %arg1: i32, %arg2: memref<10000x128xf32, #tpu.memory_space<hbm>>, %arg3: memref<2x32x4x25x100xi32, #tpu.memory_space<hbm>>, %arg4: memref<2x10000x128xf32, #tpu.memory_space<hbm>>, %arg5: memref<25x100xi32, #tpu.memory_space<vmem>>, %arg6: memref<25x100xi32, #tpu.memory_space<vmem>>, %arg7: memref<100x128xf32, #tpu.memory_space<vmem>>, %arg8: memref<100x128xf32, #tpu.memory_space<vmem>>, %arg9: memref<100x128xf32, #tpu.memory_space<vmem>>, %arg10: memref<10000x128xf32, #tpu.memory_space<vmem_shared>>, %arg11: memref<!tpu.dma_semaphore, #tpu.memory_space<semaphore_mem>>, %arg12: memref<!tpu.dma_semaphore, #tpu.memory_space<semaphore_mem>>, %arg13: memref<!tpu.dma_semaphore, #tpu.memory_space<semaphore_mem>>) attributes {dimension_semantics = [#tpu.dimension_semantics<core_parallel>, #tpu.dimension_semantics<subcore_parallel>], iteration_bounds = array<i64: 2, 16>, scalar_prefetch = 0 : i64, scratch_operands = 9 : i64, tpu.core_type = #tpu.core_type<sc_vector_subcore>, window_params = [{transform_indices = #map}, {transform_indices = #map1}, {transform_indices = #map2}]} {
    %mul3A = arith.constant 16 : i32
    %mul3A_0 = arith.muli %arg0, %mul3A : i32
    %add3A = arith.addi %mul3A_0, %arg1 : i32
    %run_scoped3A = arith.constant 0 : i32
    %run_scoped3A_1 = arith.constant 0 : i32
    "tpu.region"() ({
      %run_scoped3A_122 = tpu.sem_alloc : memref<!tpu.dma_semaphore, #tpu.memory_space<semaphore_mem>>
      %dma_start3A_123 = arith.constant 0 : i32
      %dma_start3A_124 = arith.constant 0 : i32
      %dma_start3A_125 = tpu.memref_slice %arg3[%run_scoped3A, %add3A, %run_scoped3A_1, %dma_start3A_123, %dma_start3A_124] : memref<2x32x4x25x100xi32, #tpu.memory_space<hbm>> -> memref<1x1x1x25x100xi32, #tpu.memory_space<hbm>>
      %dma_start3A_126 = tpu.memref_squeeze %dma_start3A_125 : memref<1x1x1x25x100xi32, #tpu.memory_space<hbm>> -> memref<25x100xi32, #tpu.memory_space<hbm>>
      %dma_start3A_127 = arith.constant 0 : i32
      %dma_start3A_128 = arith.constant 0 : i32
      %dma_start3A_129 = tpu.memref_slice %arg3[%run_scoped3A, %add3A, %run_scoped3A_1, %dma_start3A_127, %dma_start3A_128] : memref<2x32x4x25x100xi32, #tpu.memory_space<hbm>> -> memref<1x1x1x25x100xi32, #tpu.memory_space<hbm>>
      %dma_start3A_130 = tpu.memref_squeeze %dma_start3A_129 : memref<1x1x1x25x100xi32, #tpu.memory_space<hbm>> -> memref<25x100xi32, #tpu.memory_space<hbm>>
      tpu.enqueue_dma source(%dma_start3A_130 : memref<25x100xi32, #tpu.memory_space<hbm>>) target(%arg5 : memref<25x100xi32, #tpu.memory_space<vmem>>) target_semaphore(%run_scoped3A_122 : memref<!tpu.dma_semaphore, #tpu.memory_space<semaphore_mem>>)
      %dma_wait3A = arith.constant 0 : i32
      %dma_wait3A_131 = arith.constant 0 : i32
      %dma_wait3A_132 = tpu.memref_slice %arg3[%run_scoped3A, %add3A, %run_scoped3A_1, %dma_wait3A, %dma_wait3A_131] : memref<2x32x4x25x100xi32, #tpu.memory_space<hbm>> -> memref<1x1x1x25x100xi32, #tpu.memory_space<hbm>>
      %dma_wait3A_133 = tpu.memref_squeeze %dma_wait3A_132 : memref<1x1x1x25x100xi32, #tpu.memory_space<hbm>> -> memref<25x100xi32, #tpu.memory_space<hbm>>
      %dma_wait3A_134 = arith.constant 0 : i32
      %dma_wait3A_135 = arith.constant 0 : i32
      %dma_wait3A_136 = tpu.memref_slice %arg3[%run_scoped3A, %add3A, %run_scoped3A_1, %dma_wait3A_134, %dma_wait3A_135] : memref<2x32x4x25x100xi32, #tpu.memory_space<hbm>> -> memref<1x1x1x25x100xi32, #tpu.memory_space<hbm>>
      %dma_wait3A_137 = tpu.memref_squeeze %dma_wait3A_136 : memref<1x1x1x25x100xi32, #tpu.memory_space<hbm>> -> memref<25x100xi32, #tpu.memory_space<hbm>>
      tpu.wait_dma2 semaphore(%run_scoped3A_122 : memref<!tpu.dma_semaphore, #tpu.memory_space<semaphore_mem>>) src(%dma_wait3A_137 : memref<25x100xi32, #tpu.memory_space<hbm>>) dst(%arg5 : memref<25x100xi32, #tpu.memory_space<vmem>>)
      tpu.yield
    }) : () -> ()
    %run_scoped3A_2 = arith.constant 1 : i32
    %run_scoped3A_3 = arith.constant 0 : i32
    "tpu.region"() ({
      %run_scoped3A_122 = tpu.sem_alloc : memref<!tpu.dma_semaphore, #tpu.memory_space<semaphore_mem>>
      %dma_start3A_123 = arith.constant 0 : i32
      %dma_start3A_124 = arith.constant 0 : i32
      %dma_start3A_125 = tpu.memref_slice %arg3[%run_scoped3A_2, %add3A, %run_scoped3A_3, %dma_start3A_123, %dma_start3A_124] : memref<2x32x4x25x100xi32, #tpu.memory_space<hbm>> -> memref<1x1x1x25x100xi32, #tpu.memory_space<hbm>>
      %dma_start3A_126 = tpu.memref_squeeze %dma_start3A_125 : memref<1x1x1x25x100xi32, #tpu.memory_space<hbm>> -> memref<25x100xi32, #tpu.memory_space<hbm>>
      %dma_start3A_127 = arith.constant 0 : i32
      %dma_start3A_128 = arith.constant 0 : i32
      %dma_start3A_129 = tpu.memref_slice %arg3[%run_scoped3A_2, %add3A, %run_scoped3A_3, %dma_start3A_127, %dma_start3A_128] : memref<2x32x4x25x100xi32, #tpu.memory_space<hbm>> -> memref<1x1x1x25x100xi32, #tpu.memory_space<hbm>>
      %dma_start3A_130 = tpu.memref_squeeze %dma_start3A_129 : memref<1x1x1x25x100xi32, #tpu.memory_space<hbm>> -> memref<25x100xi32, #tpu.memory_space<hbm>>
      tpu.enqueue_dma source(%dma_start3A_130 : memref<25x100xi32, #tpu.memory_space<hbm>>) target(%arg6 : memref<25x100xi32, #tpu.memory_space<vmem>>) target_semaphore(%run_scoped3A_122 : memref<!tpu.dma_semaphore, #tpu.memory_space<semaphore_mem>>)
      %dma_wait3A = arith.constant 0 : i32
      %dma_wait3A_131 = arith.constant 0 : i32
      %dma_wait3A_132 = tpu.memref_slice %arg3[%run_scoped3A_2, %add3A, %run_scoped3A_3, %dma_wait3A, %dma_wait3A_131] : memref<2x32x4x25x100xi32, #tpu.memory_space<hbm>> -> memref<1x1x1x25x100xi32, #tpu.memory_space<hbm>>
      %dma_wait3A_133 = tpu.memref_squeeze %dma_wait3A_132 : memref<1x1x1x25x100xi32, #tpu.memory_space<hbm>> -> memref<25x100xi32, #tpu.memory_space<hbm>>
      %dma_wait3A_134 = arith.constant 0 : i32
      %dma_wait3A_135 = arith.constant 0 : i32
      %dma_wait3A_136 = tpu.memref_slice %arg3[%run_scoped3A_2, %add3A, %run_scoped3A_3, %dma_wait3A_134, %dma_wait3A_135] : memref<2x32x4x25x100xi32, #tpu.memory_space<hbm>> -> memref<1x1x1x25x100xi32, #tpu.memory_space<hbm>>
      %dma_wait3A_137 = tpu.memref_squeeze %dma_wait3A_136 : memref<1x1x1x25x100xi32, #tpu.memory_space<hbm>> -> memref<25x100xi32, #tpu.memory_space<hbm>>
      tpu.wait_dma2 semaphore(%run_scoped3A_122 : memref<!tpu.dma_semaphore, #tpu.memory_space<semaphore_mem>>) src(%dma_wait3A_137 : memref<25x100xi32, #tpu.memory_space<hbm>>) dst(%arg6 : memref<25x100xi32, #tpu.memory_space<vmem>>)
      tpu.yield
    }) : () -> ()
    %dma_start3A = arith.constant 0 : i32
    %dma_start3A_4 = arith.constant 0 : i32
    %dma_start3A_5 = tpu.memref_slice %arg5[%dma_start3A, %dma_start3A_4] : memref<25x100xi32, #tpu.memory_space<vmem>> -> memref<1x100xi32, #tpu.memory_space<vmem>>
    %dma_start3A_6 = tpu.memref_squeeze %dma_start3A_5 : memref<1x100xi32, #tpu.memory_space<vmem>> -> memref<100xi32, #tpu.memory_space<vmem>>
    %dma_start3A_7 = arith.constant 0 : i32
    %dma_start3A_8 = arith.constant 0 : i32
    %dma_start3A_9 = tpu.memref_slice %arg2[%dma_start3A_7, %dma_start3A_8] : memref<10000x128xf32, #tpu.memory_space<hbm>> -> memref<10000x128xf32, #tpu.memory_space<hbm>>
    tpu.enqueue_indirect_dma source(%dma_start3A_9 : memref<10000x128xf32, #tpu.memory_space<hbm>>) target(%arg7 : memref<100x128xf32, #tpu.memory_space<vmem>>) offsets(%dma_start3A_6 : memref<100xi32, #tpu.memory_space<vmem>>) semaphore(%arg11 : memref<!tpu.dma_semaphore, #tpu.memory_space<semaphore_mem>>)
    %dma_start3A_10 = arith.constant 1 : i32
    %dma_start3A_11 = arith.constant 0 : i32
    %dma_start3A_12 = tpu.memref_slice %arg5[%dma_start3A_10, %dma_start3A_11] : memref<25x100xi32, #tpu.memory_space<vmem>> -> memref<1x100xi32, #tpu.memory_space<vmem>>
    %dma_start3A_13 = tpu.memref_squeeze %dma_start3A_12 : memref<1x100xi32, #tpu.memory_space<vmem>> -> memref<100xi32, #tpu.memory_space<vmem>>
    %dma_start3A_14 = arith.constant 0 : i32
    %dma_start3A_15 = arith.constant 0 : i32
    %dma_start3A_16 = tpu.memref_slice %arg2[%dma_start3A_14, %dma_start3A_15] : memref<10000x128xf32, #tpu.memory_space<hbm>> -> memref<10000x128xf32, #tpu.memory_space<hbm>>
    tpu.enqueue_indirect_dma source(%dma_start3A_16 : memref<10000x128xf32, #tpu.memory_space<hbm>>) target(%arg8 : memref<100x128xf32, #tpu.memory_space<vmem>>) offsets(%dma_start3A_13 : memref<100xi32, #tpu.memory_space<vmem>>) semaphore(%arg12 : memref<!tpu.dma_semaphore, #tpu.memory_space<semaphore_mem>>)
    %broadcast_in_dim3A = arith.constant 0.000000e+00 : f32
    %broadcast_in_dim3A_17 = vector.broadcast %broadcast_in_dim3A : f32 to vector<16xf32>
    %scan3A = arith.constant 0 : i32
    %scan3A_18 = arith.constant 96 : i32
    %scan3A_19 = arith.addi %scan3A, %scan3A_18 : i32
    %scan3A_20 = arith.constant 1 : i32
    scf.for %scan3A_122 = %scan3A to %scan3A_19 step %scan3A_20  : i32 {
      %mul3A_123 = arith.constant 1 : i32
      %mul3A_124 = arith.muli %scan3A_122, %mul3A_123 : i32
      %add3A_125 = arith.constant 0 : i32
      %add3A_126 = arith.addi %add3A_125, %mul3A_124 : i32
      %swap3A = arith.index_cast %add3A_126 : i32 to index
      %swap3A_127 = arith.constant 0 : index
      %swap3A_128 = tpu.vector_load %arg9[%swap3A, %swap3A_127] {strides = array<i32>} : memref<100x128xf32, #tpu.memory_space<vmem>>, vector<1x16xf32>,
      %swap3A_129 = vector.shape_cast %swap3A_128 : vector<1x16xf32> to vector<16xf32>
      %swap3A_130 = vector.shape_cast %broadcast_in_dim3A_17 : vector<16xf32> to vector<1x16xf32>
      tpu.vector_store %arg9[%swap3A, %swap3A_127], %swap3A_130 {strides = array<i32>} : memref<100x128xf32, #tpu.memory_space<vmem>>, vector<1x16xf32>,
      %swap3A_131 = arith.index_cast %add3A_126 : i32 to index
      %swap3A_132 = arith.constant 16 : index
      %swap3A_133 = tpu.vector_load %arg9[%swap3A_131, %swap3A_132] {strides = array<i32>} : memref<100x128xf32, #tpu.memory_space<vmem>>, vector<1x16xf32>,
      %swap3A_134 = vector.shape_cast %swap3A_133 : vector<1x16xf32> to vector<16xf32>
      %swap3A_135 = vector.shape_cast %broadcast_in_dim3A_17 : vector<16xf32> to vector<1x16xf32>
      tpu.vector_store %arg9[%swap3A_131, %swap3A_132], %swap3A_135 {strides = array<i32>} : memref<100x128xf32, #tpu.memory_space<vmem>>, vector<1x16xf32>,
      %swap3A_136 = arith.index_cast %add3A_126 : i32 to index
      %swap3A_137 = arith.constant 32 : index
      %swap3A_138 = tpu.vector_load %arg9[%swap3A_136, %swap3A_137] {strides = array<i32>} : memref<100x128xf32, #tpu.memory_space<vmem>>, vector<1x16xf32>,
      %swap3A_139 = vector.shape_cast %swap3A_138 : vector<1x16xf32> to vector<16xf32>
      %swap3A_140 = vector.shape_cast %broadcast_in_dim3A_17 : vector<16xf32> to vector<1x16xf32>
      tpu.vector_store %arg9[%swap3A_136, %swap3A_137], %swap3A_140 {strides = array<i32>} : memref<100x128xf32, #tpu.memory_space<vmem>>, vector<1x16xf32>,
      %swap3A_141 = arith.index_cast %add3A_126 : i32 to index
      %swap3A_142 = arith.constant 48 : index
      %swap3A_143 = tpu.vector_load %arg9[%swap3A_141, %swap3A_142] {strides = array<i32>} : memref<100x128xf32, #tpu.memory_space<vmem>>, vector<1x16xf32>,
      %swap3A_144 = vector.shape_cast %swap3A_143 : vector<1x16xf32> to vector<16xf32>
      %swap3A_145 = vector.shape_cast %broadcast_in_dim3A_17 : vector<16xf32> to vector<1x16xf32>
      tpu.vector_store %arg9[%swap3A_141, %swap3A_142], %swap3A_145 {strides = array<i32>} : memref<100x128xf32, #tpu.memory_space<vmem>>, vector<1x16xf32>,
      %swap3A_146 = arith.index_cast %add3A_126 : i32 to index
      %swap3A_147 = arith.constant 64 : index
      %swap3A_148 = tpu.vector_load %arg9[%swap3A_146, %swap3A_147] {strides = array<i32>} : memref<100x128xf32, #tpu.memory_space<vmem>>, vector<1x16xf32>,
      %swap3A_149 = vector.shape_cast %swap3A_148 : vector<1x16xf32> to vector<16xf32>
      %swap3A_150 = vector.shape_cast %broadcast_in_dim3A_17 : vector<16xf32> to vector<1x16xf32>
      tpu.vector_store %arg9[%swap3A_146, %swap3A_147], %swap3A_150 {strides = array<i32>} : memref<100x128xf32, #tpu.memory_space<vmem>>, vector<1x16xf32>,
      %swap3A_151 = arith.index_cast %add3A_126 : i32 to index
      %swap3A_152 = arith.constant 80 : index
      %swap3A_153 = tpu.vector_load %arg9[%swap3A_151, %swap3A_152] {strides = array<i32>} : memref<100x128xf32, #tpu.memory_space<vmem>>, vector<1x16xf32>,
      %swap3A_154 = vector.shape_cast %swap3A_153 : vector<1x16xf32> to vector<16xf32>
      %swap3A_155 = vector.shape_cast %broadcast_in_dim3A_17 : vector<16xf32> to vector<1x16xf32>
      tpu.vector_store %arg9[%swap3A_151, %swap3A_152], %swap3A_155 {strides = array<i32>} : memref<100x128xf32, #tpu.memory_space<vmem>>, vector<1x16xf32>,
      %swap3A_156 = arith.index_cast %add3A_126 : i32 to index
      %swap3A_157 = arith.constant 96 : index
      %swap3A_158 = tpu.vector_load %arg9[%swap3A_156, %swap3A_157] {strides = array<i32>} : memref<100x128xf32, #tpu.memory_space<vmem>>, vector<1x16xf32>,
      %swap3A_159 = vector.shape_cast %swap3A_158 : vector<1x16xf32> to vector<16xf32>
      %swap3A_160 = vector.shape_cast %broadcast_in_dim3A_17 : vector<16xf32> to vector<1x16xf32>
      tpu.vector_store %arg9[%swap3A_156, %swap3A_157], %swap3A_160 {strides = array<i32>} : memref<100x128xf32, #tpu.memory_space<vmem>>, vector<1x16xf32>,
      %swap3A_161 = arith.index_cast %add3A_126 : i32 to index
      %swap3A_162 = arith.constant 112 : index
      %swap3A_163 = tpu.vector_load %arg9[%swap3A_161, %swap3A_162] {strides = array<i32>} : memref<100x128xf32, #tpu.memory_space<vmem>>, vector<1x16xf32>,
      %swap3A_164 = vector.shape_cast %swap3A_163 : vector<1x16xf32> to vector<16xf32>
      %swap3A_165 = vector.shape_cast %broadcast_in_dim3A_17 : vector<16xf32> to vector<1x16xf32>
      tpu.vector_store %arg9[%swap3A_161, %swap3A_162], %swap3A_165 {strides = array<i32>} : memref<100x128xf32, #tpu.memory_space<vmem>>, vector<1x16xf32>,
    }
    %scan3A_21 = arith.constant 96 : i32
    %mul3A_22 = arith.constant 624 : i32
    %mul3A_23 = arith.muli %arg1, %mul3A_22 : i32
    %add3A_24 = arith.constant 0 : i32
    %add3A_25 = arith.addi %mul3A_23, %add3A_24 : i32
    "tpu.region"() ({
      %run_scoped3A_122 = tpu.sem_alloc : memref<!tpu.dma_semaphore, #tpu.memory_space<semaphore_mem>>
      %dma_start3A_123 = arith.constant 0 : i32
      %dma_start3A_124 = arith.constant 0 : i32
      %dma_start3A_125 = tpu.memref_slice %arg9[%dma_start3A_123, %dma_start3A_124] : memref<100x128xf32, #tpu.memory_space<vmem>> -> memref<96x128xf32, #tpu.memory_space<vmem>>
      %dma_start3A_126 = arith.constant 0 : i32
      %dma_start3A_127 = tpu.memref_slice %arg10[%add3A_25, %dma_start3A_126] : memref<10000x128xf32, #tpu.memory_space<vmem_shared>> -> memref<96x128xf32, #tpu.memory_space<vmem_shared>>
      %dma_start3A_128 = arith.constant 0 : i32
      %dma_start3A_129 = tpu.memref_slice %arg10[%add3A_25, %dma_start3A_128] : memref<10000x128xf32, #tpu.memory_space<vmem_shared>> -> memref<96x128xf32, #tpu.memory_space<vmem_shared>>
      %dma_start3A_130 = arith.constant 0 : i32
      %dma_start3A_131 = arith.constant 0 : i32
      %dma_start3A_132 = tpu.memref_slice %arg9[%dma_start3A_130, %dma_start3A_131] : memref<100x128xf32, #tpu.memory_space<vmem>> -> memref<96x128xf32, #tpu.memory_space<vmem>>
      tpu.enqueue_dma source(%dma_start3A_132 : memref<96x128xf32, #tpu.memory_space<vmem>>) target(%dma_start3A_129 : memref<96x128xf32, #tpu.memory_space<vmem_shared>>) target_semaphore(%run_scoped3A_122 : memref<!tpu.dma_semaphore, #tpu.memory_space<semaphore_mem>>)
      %dma_wait3A = arith.constant 0 : i32
      %dma_wait3A_133 = arith.constant 0 : i32
      %dma_wait3A_134 = tpu.memref_slice %arg9[%dma_wait3A, %dma_wait3A_133] : memref<100x128xf32, #tpu.memory_space<vmem>> -> memref<96x128xf32, #tpu.memory_space<vmem>>
      %dma_wait3A_135 = arith.constant 0 : i32
      %dma_wait3A_136 = tpu.memref_slice %arg10[%add3A_25, %dma_wait3A_135] : memref<10000x128xf32, #tpu.memory_space<vmem_shared>> -> memref<96x128xf32, #tpu.memory_space<vmem_shared>>
      %dma_wait3A_137 = arith.constant 0 : i32
      %dma_wait3A_138 = tpu.memref_slice %arg10[%add3A_25, %dma_wait3A_137] : memref<10000x128xf32, #tpu.memory_space<vmem_shared>> -> memref<96x128xf32, #tpu.memory_space<vmem_shared>>
      %dma_wait3A_139 = arith.constant 0 : i32
      %dma_wait3A_140 = arith.constant 0 : i32
      %dma_wait3A_141 = tpu.memref_slice %arg9[%dma_wait3A_139, %dma_wait3A_140] : memref<100x128xf32, #tpu.memory_space<vmem>> -> memref<96x128xf32, #tpu.memory_space<vmem>>
      tpu.wait_dma2 semaphore(%run_scoped3A_122 : memref<!tpu.dma_semaphore, #tpu.memory_space<semaphore_mem>>) src(%dma_wait3A_141 : memref<96x128xf32, #tpu.memory_space<vmem>>) dst(%dma_wait3A_138 : memref<96x128xf32, #tpu.memory_space<vmem_shared>>)
      tpu.yield
    }) : () -> ()
    %add3A_26 = arith.constant 96 : i32
    %add3A_27 = arith.addi %mul3A_23, %add3A_26 : i32
    "tpu.region"() ({
      %run_scoped3A_122 = tpu.sem_alloc : memref<!tpu.dma_semaphore, #tpu.memory_space<semaphore_mem>>
      %dma_start3A_123 = arith.constant 0 : i32
      %dma_start3A_124 = arith.constant 0 : i32
      %dma_start3A_125 = tpu.memref_slice %arg9[%dma_start3A_123, %dma_start3A_124] : memref<100x128xf32, #tpu.memory_space<vmem>> -> memref<96x128xf32, #tpu.memory_space<vmem>>
      %dma_start3A_126 = arith.constant 0 : i32
      %dma_start3A_127 = tpu.memref_slice %arg10[%add3A_27, %dma_start3A_126] : memref<10000x128xf32, #tpu.memory_space<vmem_shared>> -> memref<96x128xf32, #tpu.memory_space<vmem_shared>>
      %dma_start3A_128 = arith.constant 0 : i32
      %dma_start3A_129 = tpu.memref_slice %arg10[%add3A_27, %dma_start3A_128] : memref<10000x128xf32, #tpu.memory_space<vmem_shared>> -> memref<96x128xf32, #tpu.memory_space<vmem_shared>>
      %dma_start3A_130 = arith.constant 0 : i32
      %dma_start3A_131 = arith.constant 0 : i32
      %dma_start3A_132 = tpu.memref_slice %arg9[%dma_start3A_130, %dma_start3A_131] : memref<100x128xf32, #tpu.memory_space<vmem>> -> memref<96x128xf32, #tpu.memory_space<vmem>>
      tpu.enqueue_dma source(%dma_start3A_132 : memref<96x128xf32, #tpu.memory_space<vmem>>) target(%dma_start3A_129 : memref<96x128xf32, #tpu.memory_space<vmem_shared>>) target_semaphore(%run_scoped3A_122 : memref<!tpu.dma_semaphore, #tpu.memory_space<semaphore_mem>>)
      %dma_wait3A = arith.constant 0 : i32
      %dma_wait3A_133 = arith.constant 0 : i32
      %dma_wait3A_134 = tpu.memref_slice %arg9[%dma_wait3A, %dma_wait3A_133] : memref<100x128xf32, #tpu.memory_space<vmem>> -> memref<96x128xf32, #tpu.memory_space<vmem>>
      %dma_wait3A_135 = arith.constant 0 : i32
      %dma_wait3A_136 = tpu.memref_slice %arg10[%add3A_27, %dma_wait3A_135] : memref<10000x128xf32, #tpu.memory_space<vmem_shared>> -> memref<96x128xf32, #tpu.memory_space<vmem_shared>>
      %dma_wait3A_137 = arith.constant 0 : i32
      %dma_wait3A_138 = tpu.memref_slice %arg10[%add3A_27, %dma_wait3A_137] : memref<10000x128xf32, #tpu.memory_space<vmem_shared>> -> memref<96x128xf32, #tpu.memory_space<vmem_shared>>
      %dma_wait3A_139 = arith.constant 0 : i32
      %dma_wait3A_140 = arith.constant 0 : i32
      %dma_wait3A_141 = tpu.memref_slice %arg9[%dma_wait3A_139, %dma_wait3A_140] : memref<100x128xf32, #tpu.memory_space<vmem>> -> memref<96x128xf32, #tpu.memory_space<vmem>>
      tpu.wait_dma2 semaphore(%run_scoped3A_122 : memref<!tpu.dma_semaphore, #tpu.memory_space<semaphore_mem>>) src(%dma_wait3A_141 : memref<96x128xf32, #tpu.memory_space<vmem>>) dst(%dma_wait3A_138 : memref<96x128xf32, #tpu.memory_space<vmem_shared>>)
      tpu.yield
    }) : () -> ()
    %add3A_28 = arith.constant 192 : i32
    %add3A_29 = arith.addi %mul3A_23, %add3A_28 : i32
    "tpu.region"() ({
      %run_scoped3A_122 = tpu.sem_alloc : memref<!tpu.dma_semaphore, #tpu.memory_space<semaphore_mem>>
      %dma_start3A_123 = arith.constant 0 : i32
      %dma_start3A_124 = arith.constant 0 : i32
      %dma_start3A_125 = tpu.memref_slice %arg9[%dma_start3A_123, %dma_start3A_124] : memref<100x128xf32, #tpu.memory_space<vmem>> -> memref<96x128xf32, #tpu.memory_space<vmem>>
      %dma_start3A_126 = arith.constant 0 : i32
      %dma_start3A_127 = tpu.memref_slice %arg10[%add3A_29, %dma_start3A_126] : memref<10000x128xf32, #tpu.memory_space<vmem_shared>> -> memref<96x128xf32, #tpu.memory_space<vmem_shared>>
      %dma_start3A_128 = arith.constant 0 : i32
      %dma_start3A_129 = tpu.memref_slice %arg10[%add3A_29, %dma_start3A_128] : memref<10000x128xf32, #tpu.memory_space<vmem_shared>> -> memref<96x128xf32, #tpu.memory_space<vmem_shared>>
      %dma_start3A_130 = arith.constant 0 : i32
      %dma_start3A_131 = arith.constant 0 : i32
      %dma_start3A_132 = tpu.memref_slice %arg9[%dma_start3A_130, %dma_start3A_131] : memref<100x128xf32, #tpu.memory_space<vmem>> -> memref<96x128xf32, #tpu.memory_space<vmem>>
      tpu.enqueue_dma source(%dma_start3A_132 : memref<96x128xf32, #tpu.memory_space<vmem>>) target(%dma_start3A_129 : memref<96x128xf32, #tpu.memory_space<vmem_shared>>) target_semaphore(%run_scoped3A_122 : memref<!tpu.dma_semaphore, #tpu.memory_space<semaphore_mem>>)
      %dma_wait3A = arith.constant 0 : i32
      %dma_wait3A_133 = arith.constant 0 : i32
      %dma_wait3A_134 = tpu.memref_slice %arg9[%dma_wait3A, %dma_wait3A_133] : memref<100x128xf32, #tpu.memory_space<vmem>> -> memref<96x128xf32, #tpu.memory_space<vmem>>
      %dma_wait3A_135 = arith.constant 0 : i32
      %dma_wait3A_136 = tpu.memref_slice %arg10[%add3A_29, %dma_wait3A_135] : memref<10000x128xf32, #tpu.memory_space<vmem_shared>> -> memref<96x128xf32, #tpu.memory_space<vmem_shared>>
      %dma_wait3A_137 = arith.constant 0 : i32
      %dma_wait3A_138 = tpu.memref_slice %arg10[%add3A_29, %dma_wait3A_137] : memref<10000x128xf32, #tpu.memory_space<vmem_shared>> -> memref<96x128xf32, #tpu.memory_space<vmem_shared>>
      %dma_wait3A_139 = arith.constant 0 : i32
      %dma_wait3A_140 = arith.constant 0 : i32
      %dma_wait3A_141 = tpu.memref_slice %arg9[%dma_wait3A_139, %dma_wait3A_140] : memref<100x128xf32, #tpu.memory_space<vmem>> -> memref<96x128xf32, #tpu.memory_space<vmem>>
      tpu.wait_dma2 semaphore(%run_scoped3A_122 : memref<!tpu.dma_semaphore, #tpu.memory_space<semaphore_mem>>) src(%dma_wait3A_141 : memref<96x128xf32, #tpu.memory_space<vmem>>) dst(%dma_wait3A_138 : memref<96x128xf32, #tpu.memory_space<vmem_shared>>)
      tpu.yield
    }) : () -> ()
    %add3A_30 = arith.constant 288 : i32
    %add3A_31 = arith.addi %mul3A_23, %add3A_30 : i32
    "tpu.region"() ({
      %run_scoped3A_122 = tpu.sem_alloc : memref<!tpu.dma_semaphore, #tpu.memory_space<semaphore_mem>>
      %dma_start3A_123 = arith.constant 0 : i32
      %dma_start3A_124 = arith.constant 0 : i32
      %dma_start3A_125 = tpu.memref_slice %arg9[%dma_start3A_123, %dma_start3A_124] : memref<100x128xf32, #tpu.memory_space<vmem>> -> memref<96x128xf32, #tpu.memory_space<vmem>>
      %dma_start3A_126 = arith.constant 0 : i32
      %dma_start3A_127 = tpu.memref_slice %arg10[%add3A_31, %dma_start3A_126] : memref<10000x128xf32, #tpu.memory_space<vmem_shared>> -> memref<96x128xf32, #tpu.memory_space<vmem_shared>>
      %dma_start3A_128 = arith.constant 0 : i32
      %dma_start3A_129 = tpu.memref_slice %arg10[%add3A_31, %dma_start3A_128] : memref<10000x128xf32, #tpu.memory_space<vmem_shared>> -> memref<96x128xf32, #tpu.memory_space<vmem_shared>>
      %dma_start3A_130 = arith.constant 0 : i32
      %dma_start3A_131 = arith.constant 0 : i32
      %dma_start3A_132 = tpu.memref_slice %arg9[%dma_start3A_130, %dma_start3A_131] : memref<100x128xf32, #tpu.memory_space<vmem>> -> memref<96x128xf32, #tpu.memory_space<vmem>>
      tpu.enqueue_dma source(%dma_start3A_132 : memref<96x128xf32, #tpu.memory_space<vmem>>) target(%dma_start3A_129 : memref<96x128xf32, #tpu.memory_space<vmem_shared>>) target_semaphore(%run_scoped3A_122 : memref<!tpu.dma_semaphore, #tpu.memory_space<semaphore_mem>>)
      %dma_wait3A = arith.constant 0 : i32
      %dma_wait3A_133 = arith.constant 0 : i32
      %dma_wait3A_134 = tpu.memref_slice %arg9[%dma_wait3A, %dma_wait3A_133] : memref<100x128xf32, #tpu.memory_space<vmem>> -> memref<96x128xf32, #tpu.memory_space<vmem>>
      %dma_wait3A_135 = arith.constant 0 : i32
      %dma_wait3A_136 = tpu.memref_slice %arg10[%add3A_31, %dma_wait3A_135] : memref<10000x128xf32, #tpu.memory_space<vmem_shared>> -> memref<96x128xf32, #tpu.memory_space<vmem_shared>>
      %dma_wait3A_137 = arith.constant 0 : i32
      %dma_wait3A_138 = tpu.memref_slice %arg10[%add3A_31, %dma_wait3A_137] : memref<10000x128xf32, #tpu.memory_space<vmem_shared>> -> memref<96x128xf32, #tpu.memory_space<vmem_shared>>
      %dma_wait3A_139 = arith.constant 0 : i32
      %dma_wait3A_140 = arith.constant 0 : i32
      %dma_wait3A_141 = tpu.memref_slice %arg9[%dma_wait3A_139, %dma_wait3A_140] : memref<100x128xf32, #tpu.memory_space<vmem>> -> memref<96x128xf32, #tpu.memory_space<vmem>>
      tpu.wait_dma2 semaphore(%run_scoped3A_122 : memref<!tpu.dma_semaphore, #tpu.memory_space<semaphore_mem>>) src(%dma_wait3A_141 : memref<96x128xf32, #tpu.memory_space<vmem>>) dst(%dma_wait3A_138 : memref<96x128xf32, #tpu.memory_space<vmem_shared>>)
      tpu.yield
    }) : () -> ()
    %add3A_32 = arith.constant 384 : i32
    %add3A_33 = arith.addi %mul3A_23, %add3A_32 : i32
    "tpu.region"() ({
      %run_scoped3A_122 = tpu.sem_alloc : memref<!tpu.dma_semaphore, #tpu.memory_space<semaphore_mem>>
      %dma_start3A_123 = arith.constant 0 : i32
      %dma_start3A_124 = arith.constant 0 : i32
      %dma_start3A_125 = tpu.memref_slice %arg9[%dma_start3A_123, %dma_start3A_124] : memref<100x128xf32, #tpu.memory_space<vmem>> -> memref<96x128xf32, #tpu.memory_space<vmem>>
      %dma_start3A_126 = arith.constant 0 : i32
      %dma_start3A_127 = tpu.memref_slice %arg10[%add3A_33, %dma_start3A_126] : memref<10000x128xf32, #tpu.memory_space<vmem_shared>> -> memref<96x128xf32, #tpu.memory_space<vmem_shared>>
      %dma_start3A_128 = arith.constant 0 : i32
      %dma_start3A_129 = tpu.memref_slice %arg10[%add3A_33, %dma_start3A_128] : memref<10000x128xf32, #tpu.memory_space<vmem_shared>> -> memref<96x128xf32, #tpu.memory_space<vmem_shared>>
      %dma_start3A_130 = arith.constant 0 : i32
      %dma_start3A_131 = arith.constant 0 : i32
      %dma_start3A_132 = tpu.memref_slice %arg9[%dma_start3A_130, %dma_start3A_131] : memref<100x128xf32, #tpu.memory_space<vmem>> -> memref<96x128xf32, #tpu.memory_space<vmem>>
      tpu.enqueue_dma source(%dma_start3A_132 : memref<96x128xf32, #tpu.memory_space<vmem>>) target(%dma_start3A_129 : memref<96x128xf32, #tpu.memory_space<vmem_shared>>) target_semaphore(%run_scoped3A_122 : memref<!tpu.dma_semaphore, #tpu.memory_space<semaphore_mem>>)
      %dma_wait3A = arith.constant 0 : i32
      %dma_wait3A_133 = arith.constant 0 : i32
      %dma_wait3A_134 = tpu.memref_slice %arg9[%dma_wait3A, %dma_wait3A_133] : memref<100x128xf32, #tpu.memory_space<vmem>> -> memref<96x128xf32, #tpu.memory_space<vmem>>
      %dma_wait3A_135 = arith.constant 0 : i32
      %dma_wait3A_136 = tpu.memref_slice %arg10[%add3A_33, %dma_wait3A_135] : memref<10000x128xf32, #tpu.memory_space<vmem_shared>> -> memref<96x128xf32, #tpu.memory_space<vmem_shared>>
      %dma_wait3A_137 = arith.constant 0 : i32
      %dma_wait3A_138 = tpu.memref_slice %arg10[%add3A_33, %dma_wait3A_137] : memref<10000x128xf32, #tpu.memory_space<vmem_shared>> -> memref<96x128xf32, #tpu.memory_space<vmem_shared>>
      %dma_wait3A_139 = arith.constant 0 : i32
      %dma_wait3A_140 = arith.constant 0 : i32
      %dma_wait3A_141 = tpu.memref_slice %arg9[%dma_wait3A_139, %dma_wait3A_140] : memref<100x128xf32, #tpu.memory_space<vmem>> -> memref<96x128xf32, #tpu.memory_space<vmem>>
      tpu.wait_dma2 semaphore(%run_scoped3A_122 : memref<!tpu.dma_semaphore, #tpu.memory_space<semaphore_mem>>) src(%dma_wait3A_141 : memref<96x128xf32, #tpu.memory_space<vmem>>) dst(%dma_wait3A_138 : memref<96x128xf32, #tpu.memory_space<vmem_shared>>)
      tpu.yield
    }) : () -> ()
    %add3A_34 = arith.constant 480 : i32
    %add3A_35 = arith.addi %mul3A_23, %add3A_34 : i32
    "tpu.region"() ({
      %run_scoped3A_122 = tpu.sem_alloc : memref<!tpu.dma_semaphore, #tpu.memory_space<semaphore_mem>>
      %dma_start3A_123 = arith.constant 0 : i32
      %dma_start3A_124 = arith.constant 0 : i32
      %dma_start3A_125 = tpu.memref_slice %arg9[%dma_start3A_123, %dma_start3A_124] : memref<100x128xf32, #tpu.memory_space<vmem>> -> memref<96x128xf32, #tpu.memory_space<vmem>>
      %dma_start3A_126 = arith.constant 0 : i32
      %dma_start3A_127 = tpu.memref_slice %arg10[%add3A_35, %dma_start3A_126] : memref<10000x128xf32, #tpu.memory_space<vmem_shared>> -> memref<96x128xf32, #tpu.memory_space<vmem_shared>>
      %dma_start3A_128 = arith.constant 0 : i32
      %dma_start3A_129 = tpu.memref_slice %arg10[%add3A_35, %dma_start3A_128] : memref<10000x128xf32, #tpu.memory_space<vmem_shared>> -> memref<96x128xf32, #tpu.memory_space<vmem_shared>>
      %dma_start3A_130 = arith.constant 0 : i32
      %dma_start3A_131 = arith.constant 0 : i32
      %dma_start3A_132 = tpu.memref_slice %arg9[%dma_start3A_130, %dma_start3A_131] : memref<100x128xf32, #tpu.memory_space<vmem>> -> memref<96x128xf32, #tpu.memory_space<vmem>>
      tpu.enqueue_dma source(%dma_start3A_132 : memref<96x128xf32, #tpu.memory_space<vmem>>) target(%dma_start3A_129 : memref<96x128xf32, #tpu.memory_space<vmem_shared>>) target_semaphore(%run_scoped3A_122 : memref<!tpu.dma_semaphore, #tpu.memory_space<semaphore_mem>>)
      %dma_wait3A = arith.constant 0 : i32
      %dma_wait3A_133 = arith.constant 0 : i32
      %dma_wait3A_134 = tpu.memref_slice %arg9[%dma_wait3A, %dma_wait3A_133] : memref<100x128xf32, #tpu.memory_space<vmem>> -> memref<96x128xf32, #tpu.memory_space<vmem>>
      %dma_wait3A_135 = arith.constant 0 : i32
      %dma_wait3A_136 = tpu.memref_slice %arg10[%add3A_35, %dma_wait3A_135] : memref<10000x128xf32, #tpu.memory_space<vmem_shared>> -> memref<96x128xf32, #tpu.memory_space<vmem_shared>>
      %dma_wait3A_137 = arith.constant 0 : i32
      %dma_wait3A_138 = tpu.memref_slice %arg10[%add3A_35, %dma_wait3A_137] : memref<10000x128xf32, #tpu.memory_space<vmem_shared>> -> memref<96x128xf32, #tpu.memory_space<vmem_shared>>
      %dma_wait3A_139 = arith.constant 0 : i32
      %dma_wait3A_140 = arith.constant 0 : i32
      %dma_wait3A_141 = tpu.memref_slice %arg9[%dma_wait3A_139, %dma_wait3A_140] : memref<100x128xf32, #tpu.memory_space<vmem>> -> memref<96x128xf32, #tpu.memory_space<vmem>>
      tpu.wait_dma2 semaphore(%run_scoped3A_122 : memref<!tpu.dma_semaphore, #tpu.memory_space<semaphore_mem>>) src(%dma_wait3A_141 : memref<96x128xf32, #tpu.memory_space<vmem>>) dst(%dma_wait3A_138 : memref<96x128xf32, #tpu.memory_space<vmem_shared>>)
      tpu.yield
    }) : () -> ()
    %add3A_36 = arith.constant 576 : i32
    %add3A_37 = arith.addi %mul3A_23, %add3A_36 : i32
    "tpu.region"() ({
      %run_scoped3A_122 = tpu.sem_alloc : memref<!tpu.dma_semaphore, #tpu.memory_space<semaphore_mem>>
      %dma_start3A_123 = arith.constant 0 : i32
      %dma_start3A_124 = arith.constant 0 : i32
      %dma_start3A_125 = tpu.memref_slice %arg9[%dma_start3A_123, %dma_start3A_124] : memref<100x128xf32, #tpu.memory_space<vmem>> -> memref<48x128xf32, #tpu.memory_space<vmem>>
      %dma_start3A_126 = arith.constant 0 : i32
      %dma_start3A_127 = tpu.memref_slice %arg10[%add3A_37, %dma_start3A_126] : memref<10000x128xf32, #tpu.memory_space<vmem_shared>> -> memref<48x128xf32, #tpu.memory_space<vmem_shared>>
      %dma_start3A_128 = arith.constant 0 : i32
      %dma_start3A_129 = tpu.memref_slice %arg10[%add3A_37, %dma_start3A_128] : memref<10000x128xf32, #tpu.memory_space<vmem_shared>> -> memref<48x128xf32, #tpu.memory_space<vmem_shared>>
      %dma_start3A_130 = arith.constant 0 : i32
      %dma_start3A_131 = arith.constant 0 : i32
      %dma_start3A_132 = tpu.memref_slice %arg9[%dma_start3A_130, %dma_start3A_131] : memref<100x128xf32, #tpu.memory_space<vmem>> -> memref<48x128xf32, #tpu.memory_space<vmem>>
      tpu.enqueue_dma source(%dma_start3A_132 : memref<48x128xf32, #tpu.memory_space<vmem>>) target(%dma_start3A_129 : memref<48x128xf32, #tpu.memory_space<vmem_shared>>) target_semaphore(%run_scoped3A_122 : memref<!tpu.dma_semaphore, #tpu.memory_space<semaphore_mem>>)
      %dma_wait3A = arith.constant 0 : i32
      %dma_wait3A_133 = arith.constant 0 : i32
      %dma_wait3A_134 = tpu.memref_slice %arg9[%dma_wait3A, %dma_wait3A_133] : memref<100x128xf32, #tpu.memory_space<vmem>> -> memref<48x128xf32, #tpu.memory_space<vmem>>
      %dma_wait3A_135 = arith.constant 0 : i32
      %dma_wait3A_136 = tpu.memref_slice %arg10[%add3A_37, %dma_wait3A_135] : memref<10000x128xf32, #tpu.memory_space<vmem_shared>> -> memref<48x128xf32, #tpu.memory_space<vmem_shared>>
      %dma_wait3A_137 = arith.constant 0 : i32
      %dma_wait3A_138 = tpu.memref_slice %arg10[%add3A_37, %dma_wait3A_137] : memref<10000x128xf32, #tpu.memory_space<vmem_shared>> -> memref<48x128xf32, #tpu.memory_space<vmem_shared>>
      %dma_wait3A_139 = arith.constant 0 : i32
      %dma_wait3A_140 = arith.constant 0 : i32
      %dma_wait3A_141 = tpu.memref_slice %arg9[%dma_wait3A_139, %dma_wait3A_140] : memref<100x128xf32, #tpu.memory_space<vmem>> -> memref<48x128xf32, #tpu.memory_space<vmem>>
      tpu.wait_dma2 semaphore(%run_scoped3A_122 : memref<!tpu.dma_semaphore, #tpu.memory_space<semaphore_mem>>) src(%dma_wait3A_141 : memref<48x128xf32, #tpu.memory_space<vmem>>) dst(%dma_wait3A_138 : memref<48x128xf32, #tpu.memory_space<vmem_shared>>)
      tpu.yield
    }) : () -> ()
    %eq3A = arith.constant 0 : i32
    %eq3A_38 = arith.cmpi eq, %arg1, %eq3A : i32
    %convert_element_type3A = arith.extui %eq3A_38 : i1 to i32
    %cond3A = arith.constant 0 : i32
    %cond3A_39 = arith.cmpi ne, %convert_element_type3A, %cond3A : i32
    scf.if %cond3A_39 {
      "tpu.region"() ({
        %run_scoped3A_122 = tpu.sem_alloc : memref<!tpu.dma_semaphore, #tpu.memory_space<semaphore_mem>>
        %dma_start3A_123 = arith.constant 0 : i32
        %dma_start3A_124 = arith.constant 0 : i32
        %dma_start3A_125 = tpu.memref_slice %arg9[%dma_start3A_123, %dma_start3A_124] : memref<100x128xf32, #tpu.memory_space<vmem>> -> memref<16x128xf32, #tpu.memory_space<vmem>>
        %dma_start3A_126 = arith.constant 9984 : i32
        %dma_start3A_127 = arith.constant 0 : i32
        %dma_start3A_128 = tpu.memref_slice %arg10[%dma_start3A_126, %dma_start3A_127] : memref<10000x128xf32, #tpu.memory_space<vmem_shared>> -> memref<16x128xf32, #tpu.memory_space<vmem_shared>>
        %dma_start3A_129 = arith.constant 9984 : i32
        %dma_start3A_130 = arith.constant 0 : i32
        %dma_start3A_131 = tpu.memref_slice %arg10[%dma_start3A_129, %dma_start3A_130] : memref<10000x128xf32, #tpu.memory_space<vmem_shared>> -> memref<16x128xf32, #tpu.memory_space<vmem_shared>>
        %dma_start3A_132 = arith.constant 0 : i32
        %dma_start3A_133 = arith.constant 0 : i32
        %dma_start3A_134 = tpu.memref_slice %arg9[%dma_start3A_132, %dma_start3A_133] : memref<100x128xf32, #tpu.memory_space<vmem>> -> memref<16x128xf32, #tpu.memory_space<vmem>>
        tpu.enqueue_dma source(%dma_start3A_134 : memref<16x128xf32, #tpu.memory_space<vmem>>) target(%dma_start3A_131 : memref<16x128xf32, #tpu.memory_space<vmem_shared>>) target_semaphore(%run_scoped3A_122 : memref<!tpu.dma_semaphore, #tpu.memory_space<semaphore_mem>>)
        %dma_wait3A = arith.constant 0 : i32
        %dma_wait3A_135 = arith.constant 0 : i32
        %dma_wait3A_136 = tpu.memref_slice %arg9[%dma_wait3A, %dma_wait3A_135] : memref<100x128xf32, #tpu.memory_space<vmem>> -> memref<16x128xf32, #tpu.memory_space<vmem>>
        %dma_wait3A_137 = arith.constant 9984 : i32
        %dma_wait3A_138 = arith.constant 0 : i32
        %dma_wait3A_139 = tpu.memref_slice %arg10[%dma_wait3A_137, %dma_wait3A_138] : memref<10000x128xf32, #tpu.memory_space<vmem_shared>> -> memref<16x128xf32, #tpu.memory_space<vmem_shared>>
        %dma_wait3A_140 = arith.constant 9984 : i32
        %dma_wait3A_141 = arith.constant 0 : i32
        %dma_wait3A_142 = tpu.memref_slice %arg10[%dma_wait3A_140, %dma_wait3A_141] : memref<10000x128xf32, #tpu.memory_space<vmem_shared>> -> memref<16x128xf32, #tpu.memory_space<vmem_shared>>
        %dma_wait3A_143 = arith.constant 0 : i32
        %dma_wait3A_144 = arith.constant 0 : i32
        %dma_wait3A_145 = tpu.memref_slice %arg9[%dma_wait3A_143, %dma_wait3A_144] : memref<100x128xf32, #tpu.memory_space<vmem>> -> memref<16x128xf32, #tpu.memory_space<vmem>>
        tpu.wait_dma2 semaphore(%run_scoped3A_122 : memref<!tpu.dma_semaphore, #tpu.memory_space<semaphore_mem>>) src(%dma_wait3A_145 : memref<16x128xf32, #tpu.memory_space<vmem>>) dst(%dma_wait3A_142 : memref<16x128xf32, #tpu.memory_space<vmem_shared>>)
        tpu.yield
      }) : () -> ()
    } else {
    }
    %mul3A_40 = arith.constant 624 : i32
    %mul3A_41 = arith.muli %arg1, %mul3A_40 : i32
    %barrier3A = arith.constant 0 : index
    tpu.barrier barrier_id(%barrier3A)
    %scan3A_42 = arith.constant 0 : i32
    %scan3A_43 = arith.constant 9 : i32
    %scan3A_44 = arith.addi %scan3A_42, %scan3A_43 : i32
    %scan3A_45 = arith.constant 1 : i32
    scf.for %scan3A_122 = %scan3A_42 to %scan3A_44 step %scan3A_45  : i32 {
      %mul3A_123 = arith.constant 3 : i32
      %mul3A_124 = arith.muli %scan3A_122, %mul3A_123 : i32
      %add3A_125 = arith.constant 0 : i32
      %add3A_126 = arith.addi %add3A_125, %mul3A_124 : i32
      %dma_wait3A = arith.constant 0 : i32
      %dma_wait3A_127 = tpu.memref_slice %arg5[%add3A_126, %dma_wait3A] : memref<25x100xi32, #tpu.memory_space<vmem>> -> memref<1x100xi32, #tpu.memory_space<vmem>>
      %dma_wait3A_128 = tpu.memref_squeeze %dma_wait3A_127 : memref<1x100xi32, #tpu.memory_space<vmem>> -> memref<100xi32, #tpu.memory_space<vmem>>
      %dma_wait3A_129 = arith.constant 0 : i32
      %dma_wait3A_130 = arith.constant 0 : i32
      %dma_wait3A_131 = tpu.memref_slice %arg2[%dma_wait3A_129, %dma_wait3A_130] : memref<10000x128xf32, #tpu.memory_space<hbm>> -> memref<10000x128xf32, #tpu.memory_space<hbm>>
      tpu.wait_indirect_dma semaphore(%arg11 : memref<!tpu.dma_semaphore, #tpu.memory_space<semaphore_mem>>) src(%dma_wait3A_131 : memref<10000x128xf32, #tpu.memory_space<hbm>>) dst(%arg7 : memref<100x128xf32, #tpu.memory_space<vmem>>)
      %add3A_132 = arith.constant 2 : i32
      %add3A_133 = arith.addi %add3A_126, %add3A_132 : i32
      %lt3A = arith.constant 25 : i32
      %lt3A_134 = arith.cmpi slt, %add3A_133, %lt3A : i32
      %convert_element_type3A_135 = arith.extui %lt3A_134 : i1 to i32
      %cond3A_136 = arith.constant 0 : i32
      %cond3A_137 = arith.cmpi ne, %convert_element_type3A_135, %cond3A_136 : i32
      scf.if %cond3A_137 {
        %add3A_152 = arith.constant 2 : i32
        %add3A_153 = arith.addi %add3A_126, %add3A_152 : i32
        %dma_start3A_154 = arith.constant 0 : i32
        %dma_start3A_155 = tpu.memref_slice %arg5[%add3A_153, %dma_start3A_154] : memref<25x100xi32, #tpu.memory_space<vmem>> -> memref<1x100xi32, #tpu.memory_space<vmem>>
        %dma_start3A_156 = tpu.memref_squeeze %dma_start3A_155 : memref<1x100xi32, #tpu.memory_space<vmem>> -> memref<100xi32, #tpu.memory_space<vmem>>
        %dma_start3A_157 = arith.constant 0 : i32
        %dma_start3A_158 = arith.constant 0 : i32
        %dma_start3A_159 = tpu.memref_slice %arg2[%dma_start3A_157, %dma_start3A_158] : memref<10000x128xf32, #tpu.memory_space<hbm>> -> memref<10000x128xf32, #tpu.memory_space<hbm>>
        tpu.enqueue_indirect_dma source(%dma_start3A_159 : memref<10000x128xf32, #tpu.memory_space<hbm>>) target(%arg9 : memref<100x128xf32, #tpu.memory_space<vmem>>) offsets(%dma_start3A_156 : memref<100xi32, #tpu.memory_space<vmem>>) semaphore(%arg13 : memref<!tpu.dma_semaphore, #tpu.memory_space<semaphore_mem>>)
      } else {
      }
      "tpu.region"() ({
        %run_scoped3A_152 = tpu.sem_alloc : memref<!tpu.dma_semaphore, #tpu.memory_space<semaphore_mem>>
        %dma_start3A_153 = arith.constant 0 : i32
        %dma_start3A_154 = tpu.memref_slice %arg6[%add3A_126, %dma_start3A_153] : memref<25x100xi32, #tpu.memory_space<vmem>> -> memref<1x100xi32, #tpu.memory_space<vmem>>
        %dma_start3A_155 = tpu.memref_squeeze %dma_start3A_154 : memref<1x100xi32, #tpu.memory_space<vmem>> -> memref<100xi32, #tpu.memory_space<vmem>>
        %dma_start3A_156 = arith.constant 0 : i32
        %dma_start3A_157 = arith.constant 0 : i32
        %dma_start3A_158 = tpu.memref_slice %arg10[%dma_start3A_156, %dma_start3A_157] : memref<10000x128xf32, #tpu.memory_space<vmem_shared>> -> memref<10000x128xf32, #tpu.memory_space<vmem_shared>>
        tpu.enqueue_indirect_dma source(%arg7 : memref<100x128xf32, #tpu.memory_space<vmem>>) target(%dma_start3A_158 : memref<10000x128xf32, #tpu.memory_space<vmem_shared>>) offsets(%dma_start3A_155 : memref<100xi32, #tpu.memory_space<vmem>>) semaphore(%run_scoped3A_152 : memref<!tpu.dma_semaphore, #tpu.memory_space<semaphore_mem>>) {add = true}
        %dma_wait3A_159 = arith.constant 0 : i32
        %dma_wait3A_160 = tpu.memref_slice %arg6[%add3A_126, %dma_wait3A_159] : memref<25x100xi32, #tpu.memory_space<vmem>> -> memref<1x100xi32, #tpu.memory_space<vmem>>
        %dma_wait3A_161 = tpu.memref_squeeze %dma_wait3A_160 : memref<1x100xi32, #tpu.memory_space<vmem>> -> memref<100xi32, #tpu.memory_space<vmem>>
        %dma_wait3A_162 = arith.constant 0 : i32
        %dma_wait3A_163 = arith.constant 0 : i32
        %dma_wait3A_164 = tpu.memref_slice %arg10[%dma_wait3A_162, %dma_wait3A_163] : memref<10000x128xf32, #tpu.memory_space<vmem_shared>> -> memref<10000x128xf32, #tpu.memory_space<vmem_shared>>
        tpu.wait_indirect_dma semaphore(%run_scoped3A_152 : memref<!tpu.dma_semaphore, #tpu.memory_space<semaphore_mem>>) src(%arg7 : memref<100x128xf32, #tpu.memory_space<vmem>>) dst(%dma_wait3A_164 : memref<10000x128xf32, #tpu.memory_space<vmem_shared>>)
        tpu.yield
      }) : () -> ()
      %add3A_138 = arith.constant 1 : i32
      %add3A_139 = arith.addi %add3A_126, %add3A_138 : i32
      %lt3A_140 = arith.constant 25 : i32
      %lt3A_141 = arith.cmpi slt, %add3A_139, %lt3A_140 : i32
      %convert_element_type3A_142 = arith.extui %lt3A_141 : i1 to i32
      %cond3A_143 = arith.constant 0 : i32
      %cond3A_144 = arith.cmpi ne, %convert_element_type3A_142, %cond3A_143 : i32
      scf.if %cond3A_144 {
        %add3A_152 = arith.constant 1 : i32
        %add3A_153 = arith.addi %add3A_126, %add3A_152 : i32
        %dma_wait3A_154 = arith.constant 0 : i32
        %dma_wait3A_155 = tpu.memref_slice %arg5[%add3A_153, %dma_wait3A_154] : memref<25x100xi32, #tpu.memory_space<vmem>> -> memref<1x100xi32, #tpu.memory_space<vmem>>
        %dma_wait3A_156 = tpu.memref_squeeze %dma_wait3A_155 : memref<1x100xi32, #tpu.memory_space<vmem>> -> memref<100xi32, #tpu.memory_space<vmem>>
        %dma_wait3A_157 = arith.constant 0 : i32
        %dma_wait3A_158 = arith.constant 0 : i32
        %dma_wait3A_159 = tpu.memref_slice %arg2[%dma_wait3A_157, %dma_wait3A_158] : memref<10000x128xf32, #tpu.memory_space<hbm>> -> memref<10000x128xf32, #tpu.memory_space<hbm>>
        tpu.wait_indirect_dma semaphore(%arg12 : memref<!tpu.dma_semaphore, #tpu.memory_space<semaphore_mem>>) src(%dma_wait3A_159 : memref<10000x128xf32, #tpu.memory_space<hbm>>) dst(%arg8 : memref<100x128xf32, #tpu.memory_space<vmem>>)
        %add3A_160 = arith.constant 3 : i32
        %add3A_161 = arith.addi %add3A_126, %add3A_160 : i32
        %lt3A_162 = arith.constant 25 : i32
        %lt3A_163 = arith.cmpi slt, %add3A_161, %lt3A_162 : i32
        %convert_element_type3A_164 = arith.extui %lt3A_163 : i1 to i32
        %cond3A_165 = arith.constant 0 : i32
        %cond3A_166 = arith.cmpi ne, %convert_element_type3A_164, %cond3A_165 : i32
        scf.if %cond3A_166 {
          %add3A_169 = arith.constant 3 : i32
          %add3A_170 = arith.addi %add3A_126, %add3A_169 : i32
          %dma_start3A_171 = arith.constant 0 : i32
          %dma_start3A_172 = tpu.memref_slice %arg5[%add3A_170, %dma_start3A_171] : memref<25x100xi32, #tpu.memory_space<vmem>> -> memref<1x100xi32, #tpu.memory_space<vmem>>
          %dma_start3A_173 = tpu.memref_squeeze %dma_start3A_172 : memref<1x100xi32, #tpu.memory_space<vmem>> -> memref<100xi32, #tpu.memory_space<vmem>>
          %dma_start3A_174 = arith.constant 0 : i32
          %dma_start3A_175 = arith.constant 0 : i32
          %dma_start3A_176 = tpu.memref_slice %arg2[%dma_start3A_174, %dma_start3A_175] : memref<10000x128xf32, #tpu.memory_space<hbm>> -> memref<10000x128xf32, #tpu.memory_space<hbm>>
          tpu.enqueue_indirect_dma source(%dma_start3A_176 : memref<10000x128xf32, #tpu.memory_space<hbm>>) target(%arg7 : memref<100x128xf32, #tpu.memory_space<vmem>>) offsets(%dma_start3A_173 : memref<100xi32, #tpu.memory_space<vmem>>) semaphore(%arg11 : memref<!tpu.dma_semaphore, #tpu.memory_space<semaphore_mem>>)
        } else {
        }
        %add3A_167 = arith.constant 1 : i32
        %add3A_168 = arith.addi %add3A_126, %add3A_167 : i32
        "tpu.region"() ({
          %run_scoped3A_169 = tpu.sem_alloc : memref<!tpu.dma_semaphore, #tpu.memory_space<semaphore_mem>>
          %dma_start3A_170 = arith.constant 0 : i32
          %dma_start3A_171 = tpu.memref_slice %arg6[%add3A_168, %dma_start3A_170] : memref<25x100xi32, #tpu.memory_space<vmem>> -> memref<1x100xi32, #tpu.memory_space<vmem>>
          %dma_start3A_172 = tpu.memref_squeeze %dma_start3A_171 : memref<1x100xi32, #tpu.memory_space<vmem>> -> memref<100xi32, #tpu.memory_space<vmem>>
          %dma_start3A_173 = arith.constant 0 : i32
          %dma_start3A_174 = arith.constant 0 : i32
          %dma_start3A_175 = tpu.memref_slice %arg10[%dma_start3A_173, %dma_start3A_174] : memref<10000x128xf32, #tpu.memory_space<vmem_shared>> -> memref<10000x128xf32, #tpu.memory_space<vmem_shared>>
          tpu.enqueue_indirect_dma source(%arg8 : memref<100x128xf32, #tpu.memory_space<vmem>>) target(%dma_start3A_175 : memref<10000x128xf32, #tpu.memory_space<vmem_shared>>) offsets(%dma_start3A_172 : memref<100xi32, #tpu.memory_space<vmem>>) semaphore(%run_scoped3A_169 : memref<!tpu.dma_semaphore, #tpu.memory_space<semaphore_mem>>) {add = true}
          %dma_wait3A_176 = arith.constant 0 : i32
          %dma_wait3A_177 = tpu.memref_slice %arg6[%add3A_168, %dma_wait3A_176] : memref<25x100xi32, #tpu.memory_space<vmem>> -> memref<1x100xi32, #tpu.memory_space<vmem>>
          %dma_wait3A_178 = tpu.memref_squeeze %dma_wait3A_177 : memref<1x100xi32, #tpu.memory_space<vmem>> -> memref<100xi32, #tpu.memory_space<vmem>>
          %dma_wait3A_179 = arith.constant 0 : i32
          %dma_wait3A_180 = arith.constant 0 : i32
          %dma_wait3A_181 = tpu.memref_slice %arg10[%dma_wait3A_179, %dma_wait3A_180] : memref<10000x128xf32, #tpu.memory_space<vmem_shared>> -> memref<10000x128xf32, #tpu.memory_space<vmem_shared>>
          tpu.wait_indirect_dma semaphore(%run_scoped3A_169 : memref<!tpu.dma_semaphore, #tpu.memory_space<semaphore_mem>>) src(%arg8 : memref<100x128xf32, #tpu.memory_space<vmem>>) dst(%dma_wait3A_181 : memref<10000x128xf32, #tpu.memory_space<vmem_shared>>)
          tpu.yield
        }) : () -> ()
      } else {
      }
      %add3A_145 = arith.constant 2 : i32
      %add3A_146 = arith.addi %add3A_126, %add3A_145 : i32
      %lt3A_147 = arith.constant 25 : i32
      %lt3A_148 = arith.cmpi slt, %add3A_146, %lt3A_147 : i32
      %convert_element_type3A_149 = arith.extui %lt3A_148 : i1 to i32
      %cond3A_150 = arith.constant 0 : i32
      %cond3A_151 = arith.cmpi ne, %convert_element_type3A_149, %cond3A_150 : i32
      scf.if %cond3A_151 {
        %add3A_152 = arith.constant 2 : i32
        %add3A_153 = arith.addi %add3A_126, %add3A_152 : i32
        %dma_wait3A_154 = arith.constant 0 : i32
        %dma_wait3A_155 = tpu.memref_slice %arg5[%add3A_153, %dma_wait3A_154] : memref<25x100xi32, #tpu.memory_space<vmem>> -> memref<1x100xi32, #tpu.memory_space<vmem>>
        %dma_wait3A_156 = tpu.memref_squeeze %dma_wait3A_155 : memref<1x100xi32, #tpu.memory_space<vmem>> -> memref<100xi32, #tpu.memory_space<vmem>>
        %dma_wait3A_157 = arith.constant 0 : i32
        %dma_wait3A_158 = arith.constant 0 : i32
        %dma_wait3A_159 = tpu.memref_slice %arg2[%dma_wait3A_157, %dma_wait3A_158] : memref<10000x128xf32, #tpu.memory_space<hbm>> -> memref<10000x128xf32, #tpu.memory_space<hbm>>
        tpu.wait_indirect_dma semaphore(%arg13 : memref<!tpu.dma_semaphore, #tpu.memory_space<semaphore_mem>>) src(%dma_wait3A_159 : memref<10000x128xf32, #tpu.memory_space<hbm>>) dst(%arg9 : memref<100x128xf32, #tpu.memory_space<vmem>>)
        %add3A_160 = arith.constant 4 : i32
        %add3A_161 = arith.addi %add3A_126, %add3A_160 : i32
        %lt3A_162 = arith.constant 25 : i32
        %lt3A_163 = arith.cmpi slt, %add3A_161, %lt3A_162 : i32
        %convert_element_type3A_164 = arith.extui %lt3A_163 : i1 to i32
        %cond3A_165 = arith.constant 0 : i32
        %cond3A_166 = arith.cmpi ne, %convert_element_type3A_164, %cond3A_165 : i32
        scf.if %cond3A_166 {
          %add3A_169 = arith.constant 4 : i32
          %add3A_170 = arith.addi %add3A_126, %add3A_169 : i32
          %dma_start3A_171 = arith.constant 0 : i32
          %dma_start3A_172 = tpu.memref_slice %arg5[%add3A_170, %dma_start3A_171] : memref<25x100xi32, #tpu.memory_space<vmem>> -> memref<1x100xi32, #tpu.memory_space<vmem>>
          %dma_start3A_173 = tpu.memref_squeeze %dma_start3A_172 : memref<1x100xi32, #tpu.memory_space<vmem>> -> memref<100xi32, #tpu.memory_space<vmem>>
          %dma_start3A_174 = arith.constant 0 : i32
          %dma_start3A_175 = arith.constant 0 : i32
          %dma_start3A_176 = tpu.memref_slice %arg2[%dma_start3A_174, %dma_start3A_175] : memref<10000x128xf32, #tpu.memory_space<hbm>> -> memref<10000x128xf32, #tpu.memory_space<hbm>>
          tpu.enqueue_indirect_dma source(%dma_start3A_176 : memref<10000x128xf32, #tpu.memory_space<hbm>>) target(%arg8 : memref<100x128xf32, #tpu.memory_space<vmem>>) offsets(%dma_start3A_173 : memref<100xi32, #tpu.memory_space<vmem>>) semaphore(%arg12 : memref<!tpu.dma_semaphore, #tpu.memory_space<semaphore_mem>>)
        } else {
        }
        %add3A_167 = arith.constant 2 : i32
        %add3A_168 = arith.addi %add3A_126, %add3A_167 : i32
        "tpu.region"() ({
          %run_scoped3A_169 = tpu.sem_alloc : memref<!tpu.dma_semaphore, #tpu.memory_space<semaphore_mem>>
          %dma_start3A_170 = arith.constant 0 : i32
          %dma_start3A_171 = tpu.memref_slice %arg6[%add3A_168, %dma_start3A_170] : memref<25x100xi32, #tpu.memory_space<vmem>> -> memref<1x100xi32, #tpu.memory_space<vmem>>
          %dma_start3A_172 = tpu.memref_squeeze %dma_start3A_171 : memref<1x100xi32, #tpu.memory_space<vmem>> -> memref<100xi32, #tpu.memory_space<vmem>>
          %dma_start3A_173 = arith.constant 0 : i32
          %dma_start3A_174 = arith.constant 0 : i32
          %dma_start3A_175 = tpu.memref_slice %arg10[%dma_start3A_173, %dma_start3A_174] : memref<10000x128xf32, #tpu.memory_space<vmem_shared>> -> memref<10000x128xf32, #tpu.memory_space<vmem_shared>>
          tpu.enqueue_indirect_dma source(%arg9 : memref<100x128xf32, #tpu.memory_space<vmem>>) target(%dma_start3A_175 : memref<10000x128xf32, #tpu.memory_space<vmem_shared>>) offsets(%dma_start3A_172 : memref<100xi32, #tpu.memory_space<vmem>>) semaphore(%run_scoped3A_169 : memref<!tpu.dma_semaphore, #tpu.memory_space<semaphore_mem>>) {add = true}
          %dma_wait3A_176 = arith.constant 0 : i32
          %dma_wait3A_177 = tpu.memref_slice %arg6[%add3A_168, %dma_wait3A_176] : memref<25x100xi32, #tpu.memory_space<vmem>> -> memref<1x100xi32, #tpu.memory_space<vmem>>
          %dma_wait3A_178 = tpu.memref_squeeze %dma_wait3A_177 : memref<1x100xi32, #tpu.memory_space<vmem>> -> memref<100xi32, #tpu.memory_space<vmem>>
          %dma_wait3A_179 = arith.constant 0 : i32
          %dma_wait3A_180 = arith.constant 0 : i32
          %dma_wait3A_181 = tpu.memref_slice %arg10[%dma_wait3A_179, %dma_wait3A_180] : memref<10000x128xf32, #tpu.memory_space<vmem_shared>> -> memref<10000x128xf32, #tpu.memory_space<vmem_shared>>
          tpu.wait_indirect_dma semaphore(%run_scoped3A_169 : memref<!tpu.dma_semaphore, #tpu.memory_space<semaphore_mem>>) src(%arg9 : memref<100x128xf32, #tpu.memory_space<vmem>>) dst(%dma_wait3A_181 : memref<10000x128xf32, #tpu.memory_space<vmem_shared>>)
          tpu.yield
        }) : () -> ()
      } else {
      }
    }
    %scan3A_46 = arith.constant 9 : i32
    %run_scoped3A_47 = arith.constant 0 : i32
    %run_scoped3A_48 = arith.constant 1 : i32
    "tpu.region"() ({
      %run_scoped3A_122 = tpu.sem_alloc : memref<!tpu.dma_semaphore, #tpu.memory_space<semaphore_mem>>
      %dma_start3A_123 = arith.constant 0 : i32
      %dma_start3A_124 = arith.constant 0 : i32
      %dma_start3A_125 = tpu.memref_slice %arg3[%run_scoped3A_47, %add3A, %run_scoped3A_48, %dma_start3A_123, %dma_start3A_124] : memref<2x32x4x25x100xi32, #tpu.memory_space<hbm>> -> memref<1x1x1x25x100xi32, #tpu.memory_space<hbm>>
      %dma_start3A_126 = tpu.memref_squeeze %dma_start3A_125 : memref<1x1x1x25x100xi32, #tpu.memory_space<hbm>> -> memref<25x100xi32, #tpu.memory_space<hbm>>
      %dma_start3A_127 = arith.constant 0 : i32
      %dma_start3A_128 = arith.constant 0 : i32
      %dma_start3A_129 = tpu.memref_slice %arg3[%run_scoped3A_47, %add3A, %run_scoped3A_48, %dma_start3A_127, %dma_start3A_128] : memref<2x32x4x25x100xi32, #tpu.memory_space<hbm>> -> memref<1x1x1x25x100xi32, #tpu.memory_space<hbm>>
      %dma_start3A_130 = tpu.memref_squeeze %dma_start3A_129 : memref<1x1x1x25x100xi32, #tpu.memory_space<hbm>> -> memref<25x100xi32, #tpu.memory_space<hbm>>
      tpu.enqueue_dma source(%dma_start3A_130 : memref<25x100xi32, #tpu.memory_space<hbm>>) target(%arg5 : memref<25x100xi32, #tpu.memory_space<vmem>>) target_semaphore(%run_scoped3A_122 : memref<!tpu.dma_semaphore, #tpu.memory_space<semaphore_mem>>)
      %dma_wait3A = arith.constant 0 : i32
      %dma_wait3A_131 = arith.constant 0 : i32
      %dma_wait3A_132 = tpu.memref_slice %arg3[%run_scoped3A_47, %add3A, %run_scoped3A_48, %dma_wait3A, %dma_wait3A_131] : memref<2x32x4x25x100xi32, #tpu.memory_space<hbm>> -> memref<1x1x1x25x100xi32, #tpu.memory_space<hbm>>
      %dma_wait3A_133 = tpu.memref_squeeze %dma_wait3A_132 : memref<1x1x1x25x100xi32, #tpu.memory_space<hbm>> -> memref<25x100xi32, #tpu.memory_space<hbm>>
      %dma_wait3A_134 = arith.constant 0 : i32
      %dma_wait3A_135 = arith.constant 0 : i32
      %dma_wait3A_136 = tpu.memref_slice %arg3[%run_scoped3A_47, %add3A, %run_scoped3A_48, %dma_wait3A_134, %dma_wait3A_135] : memref<2x32x4x25x100xi32, #tpu.memory_space<hbm>> -> memref<1x1x1x25x100xi32, #tpu.memory_space<hbm>>
      %dma_wait3A_137 = tpu.memref_squeeze %dma_wait3A_136 : memref<1x1x1x25x100xi32, #tpu.memory_space<hbm>> -> memref<25x100xi32, #tpu.memory_space<hbm>>
      tpu.wait_dma2 semaphore(%run_scoped3A_122 : memref<!tpu.dma_semaphore, #tpu.memory_space<semaphore_mem>>) src(%dma_wait3A_137 : memref<25x100xi32, #tpu.memory_space<hbm>>) dst(%arg5 : memref<25x100xi32, #tpu.memory_space<vmem>>)
      tpu.yield
    }) : () -> ()
    %run_scoped3A_49 = arith.constant 1 : i32
    %run_scoped3A_50 = arith.constant 1 : i32
    "tpu.region"() ({
      %run_scoped3A_122 = tpu.sem_alloc : memref<!tpu.dma_semaphore, #tpu.memory_space<semaphore_mem>>
      %dma_start3A_123 = arith.constant 0 : i32
      %dma_start3A_124 = arith.constant 0 : i32
      %dma_start3A_125 = tpu.memref_slice %arg3[%run_scoped3A_49, %add3A, %run_scoped3A_50, %dma_start3A_123, %dma_start3A_124] : memref<2x32x4x25x100xi32, #tpu.memory_space<hbm>> -> memref<1x1x1x25x100xi32, #tpu.memory_space<hbm>>
      %dma_start3A_126 = tpu.memref_squeeze %dma_start3A_125 : memref<1x1x1x25x100xi32, #tpu.memory_space<hbm>> -> memref<25x100xi32, #tpu.memory_space<hbm>>
      %dma_start3A_127 = arith.constant 0 : i32
      %dma_start3A_128 = arith.constant 0 : i32
      %dma_start3A_129 = tpu.memref_slice %arg3[%run_scoped3A_49, %add3A, %run_scoped3A_50, %dma_start3A_127, %dma_start3A_128] : memref<2x32x4x25x100xi32, #tpu.memory_space<hbm>> -> memref<1x1x1x25x100xi32, #tpu.memory_space<hbm>>
      %dma_start3A_130 = tpu.memref_squeeze %dma_start3A_129 : memref<1x1x1x25x100xi32, #tpu.memory_space<hbm>> -> memref<25x100xi32, #tpu.memory_space<hbm>>
      tpu.enqueue_dma source(%dma_start3A_130 : memref<25x100xi32, #tpu.memory_space<hbm>>) target(%arg6 : memref<25x100xi32, #tpu.memory_space<vmem>>) target_semaphore(%run_scoped3A_122 : memref<!tpu.dma_semaphore, #tpu.memory_space<semaphore_mem>>)
      %dma_wait3A = arith.constant 0 : i32
      %dma_wait3A_131 = arith.constant 0 : i32
      %dma_wait3A_132 = tpu.memref_slice %arg3[%run_scoped3A_49, %add3A, %run_scoped3A_50, %dma_wait3A, %dma_wait3A_131] : memref<2x32x4x25x100xi32, #tpu.memory_space<hbm>> -> memref<1x1x1x25x100xi32, #tpu.memory_space<hbm>>
      %dma_wait3A_133 = tpu.memref_squeeze %dma_wait3A_132 : memref<1x1x1x25x100xi32, #tpu.memory_space<hbm>> -> memref<25x100xi32, #tpu.memory_space<hbm>>
      %dma_wait3A_134 = arith.constant 0 : i32
      %dma_wait3A_135 = arith.constant 0 : i32
      %dma_wait3A_136 = tpu.memref_slice %arg3[%run_scoped3A_49, %add3A, %run_scoped3A_50, %dma_wait3A_134, %dma_wait3A_135] : memref<2x32x4x25x100xi32, #tpu.memory_space<hbm>> -> memref<1x1x1x25x100xi32, #tpu.memory_space<hbm>>
      %dma_wait3A_137 = tpu.memref_squeeze %dma_wait3A_136 : memref<1x1x1x25x100xi32, #tpu.memory_space<hbm>> -> memref<25x100xi32, #tpu.memory_space<hbm>>
      tpu.wait_dma2 semaphore(%run_scoped3A_122 : memref<!tpu.dma_semaphore, #tpu.memory_space<semaphore_mem>>) src(%dma_wait3A_137 : memref<25x100xi32, #tpu.memory_space<hbm>>) dst(%arg6 : memref<25x100xi32, #tpu.memory_space<vmem>>)
      tpu.yield
    }) : () -> ()
    %dma_start3A_51 = arith.constant 0 : i32
    %dma_start3A_52 = arith.constant 0 : i32
    %dma_start3A_53 = tpu.memref_slice %arg5[%dma_start3A_51, %dma_start3A_52] : memref<25x100xi32, #tpu.memory_space<vmem>> -> memref<1x100xi32, #tpu.memory_space<vmem>>
    %dma_start3A_54 = tpu.memref_squeeze %dma_start3A_53 : memref<1x100xi32, #tpu.memory_space<vmem>> -> memref<100xi32, #tpu.memory_space<vmem>>
    %dma_start3A_55 = arith.constant 0 : i32
    %dma_start3A_56 = arith.constant 0 : i32
    %dma_start3A_57 = tpu.memref_slice %arg2[%dma_start3A_55, %dma_start3A_56] : memref<10000x128xf32, #tpu.memory_space<hbm>> -> memref<10000x128xf32, #tpu.memory_space<hbm>>
    tpu.enqueue_indirect_dma source(%dma_start3A_57 : memref<10000x128xf32, #tpu.memory_space<hbm>>) target(%arg7 : memref<100x128xf32, #tpu.memory_space<vmem>>) offsets(%dma_start3A_54 : memref<100xi32, #tpu.memory_space<vmem>>) semaphore(%arg11 : memref<!tpu.dma_semaphore, #tpu.memory_space<semaphore_mem>>)
    %dma_start3A_58 = arith.constant 1 : i32
    %dma_start3A_59 = arith.constant 0 : i32
    %dma_start3A_60 = tpu.memref_slice %arg5[%dma_start3A_58, %dma_start3A_59] : memref<25x100xi32, #tpu.memory_space<vmem>> -> memref<1x100xi32, #tpu.memory_space<vmem>>
    %dma_start3A_61 = tpu.memref_squeeze %dma_start3A_60 : memref<1x100xi32, #tpu.memory_space<vmem>> -> memref<100xi32, #tpu.memory_space<vmem>>
    %dma_start3A_62 = arith.constant 0 : i32
    %dma_start3A_63 = arith.constant 0 : i32
    %dma_start3A_64 = tpu.memref_slice %arg2[%dma_start3A_62, %dma_start3A_63] : memref<10000x128xf32, #tpu.memory_space<hbm>> -> memref<10000x128xf32, #tpu.memory_space<hbm>>
    tpu.enqueue_indirect_dma source(%dma_start3A_64 : memref<10000x128xf32, #tpu.memory_space<hbm>>) target(%arg8 : memref<100x128xf32, #tpu.memory_space<vmem>>) offsets(%dma_start3A_61 : memref<100xi32, #tpu.memory_space<vmem>>) semaphore(%arg12 : memref<!tpu.dma_semaphore, #tpu.memory_space<semaphore_mem>>)
    %scan3A_65 = arith.constant 0 : i32
    %scan3A_66 = arith.constant 9 : i32
    %scan3A_67 = arith.addi %scan3A_65, %scan3A_66 : i32
    %scan3A_68 = arith.constant 1 : i32
    scf.for %scan3A_122 = %scan3A_65 to %scan3A_67 step %scan3A_68  : i32 {
      %mul3A_123 = arith.constant 3 : i32
      %mul3A_124 = arith.muli %scan3A_122, %mul3A_123 : i32
      %add3A_125 = arith.constant 0 : i32
      %add3A_126 = arith.addi %add3A_125, %mul3A_124 : i32
      %dma_wait3A = arith.constant 0 : i32
      %dma_wait3A_127 = tpu.memref_slice %arg5[%add3A_126, %dma_wait3A] : memref<25x100xi32, #tpu.memory_space<vmem>> -> memref<1x100xi32, #tpu.memory_space<vmem>>
      %dma_wait3A_128 = tpu.memref_squeeze %dma_wait3A_127 : memref<1x100xi32, #tpu.memory_space<vmem>> -> memref<100xi32, #tpu.memory_space<vmem>>
      %dma_wait3A_129 = arith.constant 0 : i32
      %dma_wait3A_130 = arith.constant 0 : i32
      %dma_wait3A_131 = tpu.memref_slice %arg2[%dma_wait3A_129, %dma_wait3A_130] : memref<10000x128xf32, #tpu.memory_space<hbm>> -> memref<10000x128xf32, #tpu.memory_space<hbm>>
      tpu.wait_indirect_dma semaphore(%arg11 : memref<!tpu.dma_semaphore, #tpu.memory_space<semaphore_mem>>) src(%dma_wait3A_131 : memref<10000x128xf32, #tpu.memory_space<hbm>>) dst(%arg7 : memref<100x128xf32, #tpu.memory_space<vmem>>)
      %add3A_132 = arith.constant 2 : i32
      %add3A_133 = arith.addi %add3A_126, %add3A_132 : i32
      %lt3A = arith.constant 25 : i32
      %lt3A_134 = arith.cmpi slt, %add3A_133, %lt3A : i32
      %convert_element_type3A_135 = arith.extui %lt3A_134 : i1 to i32
      %cond3A_136 = arith.constant 0 : i32
      %cond3A_137 = arith.cmpi ne, %convert_element_type3A_135, %cond3A_136 : i32
      scf.if %cond3A_137 {
        %add3A_152 = arith.constant 2 : i32
        %add3A_153 = arith.addi %add3A_126, %add3A_152 : i32
        %dma_start3A_154 = arith.constant 0 : i32
        %dma_start3A_155 = tpu.memref_slice %arg5[%add3A_153, %dma_start3A_154] : memref<25x100xi32, #tpu.memory_space<vmem>> -> memref<1x100xi32, #tpu.memory_space<vmem>>
        %dma_start3A_156 = tpu.memref_squeeze %dma_start3A_155 : memref<1x100xi32, #tpu.memory_space<vmem>> -> memref<100xi32, #tpu.memory_space<vmem>>
        %dma_start3A_157 = arith.constant 0 : i32
        %dma_start3A_158 = arith.constant 0 : i32
        %dma_start3A_159 = tpu.memref_slice %arg2[%dma_start3A_157, %dma_start3A_158] : memref<10000x128xf32, #tpu.memory_space<hbm>> -> memref<10000x128xf32, #tpu.memory_space<hbm>>
        tpu.enqueue_indirect_dma source(%dma_start3A_159 : memref<10000x128xf32, #tpu.memory_space<hbm>>) target(%arg9 : memref<100x128xf32, #tpu.memory_space<vmem>>) offsets(%dma_start3A_156 : memref<100xi32, #tpu.memory_space<vmem>>) semaphore(%arg13 : memref<!tpu.dma_semaphore, #tpu.memory_space<semaphore_mem>>)
      } else {
      }
      "tpu.region"() ({
        %run_scoped3A_152 = tpu.sem_alloc : memref<!tpu.dma_semaphore, #tpu.memory_space<semaphore_mem>>
        %dma_start3A_153 = arith.constant 0 : i32
        %dma_start3A_154 = tpu.memref_slice %arg6[%add3A_126, %dma_start3A_153] : memref<25x100xi32, #tpu.memory_space<vmem>> -> memref<1x100xi32, #tpu.memory_space<vmem>>
        %dma_start3A_155 = tpu.memref_squeeze %dma_start3A_154 : memref<1x100xi32, #tpu.memory_space<vmem>> -> memref<100xi32, #tpu.memory_space<vmem>>
        %dma_start3A_156 = arith.constant 0 : i32
        %dma_start3A_157 = arith.constant 0 : i32
        %dma_start3A_158 = tpu.memref_slice %arg10[%dma_start3A_156, %dma_start3A_157] : memref<10000x128xf32, #tpu.memory_space<vmem_shared>> -> memref<10000x128xf32, #tpu.memory_space<vmem_shared>>
        tpu.enqueue_indirect_dma source(%arg7 : memref<100x128xf32, #tpu.memory_space<vmem>>) target(%dma_start3A_158 : memref<10000x128xf32, #tpu.memory_space<vmem_shared>>) offsets(%dma_start3A_155 : memref<100xi32, #tpu.memory_space<vmem>>) semaphore(%run_scoped3A_152 : memref<!tpu.dma_semaphore, #tpu.memory_space<semaphore_mem>>) {add = true}
        %dma_wait3A_159 = arith.constant 0 : i32
        %dma_wait3A_160 = tpu.memref_slice %arg6[%add3A_126, %dma_wait3A_159] : memref<25x100xi32, #tpu.memory_space<vmem>> -> memref<1x100xi32, #tpu.memory_space<vmem>>
        %dma_wait3A_161 = tpu.memref_squeeze %dma_wait3A_160 : memref<1x100xi32, #tpu.memory_space<vmem>> -> memref<100xi32, #tpu.memory_space<vmem>>
        %dma_wait3A_162 = arith.constant 0 : i32
        %dma_wait3A_163 = arith.constant 0 : i32
        %dma_wait3A_164 = tpu.memref_slice %arg10[%dma_wait3A_162, %dma_wait3A_163] : memref<10000x128xf32, #tpu.memory_space<vmem_shared>> -> memref<10000x128xf32, #tpu.memory_space<vmem_shared>>
        tpu.wait_indirect_dma semaphore(%run_scoped3A_152 : memref<!tpu.dma_semaphore, #tpu.memory_space<semaphore_mem>>) src(%arg7 : memref<100x128xf32, #tpu.memory_space<vmem>>) dst(%dma_wait3A_164 : memref<10000x128xf32, #tpu.memory_space<vmem_shared>>)
        tpu.yield
      }) : () -> ()
      %add3A_138 = arith.constant 1 : i32
      %add3A_139 = arith.addi %add3A_126, %add3A_138 : i32
      %lt3A_140 = arith.constant 25 : i32
      %lt3A_141 = arith.cmpi slt, %add3A_139, %lt3A_140 : i32
      %convert_element_type3A_142 = arith.extui %lt3A_141 : i1 to i32
      %cond3A_143 = arith.constant 0 : i32
      %cond3A_144 = arith.cmpi ne, %convert_element_type3A_142, %cond3A_143 : i32
      scf.if %cond3A_144 {
        %add3A_152 = arith.constant 1 : i32
        %add3A_153 = arith.addi %add3A_126, %add3A_152 : i32
        %dma_wait3A_154 = arith.constant 0 : i32
        %dma_wait3A_155 = tpu.memref_slice %arg5[%add3A_153, %dma_wait3A_154] : memref<25x100xi32, #tpu.memory_space<vmem>> -> memref<1x100xi32, #tpu.memory_space<vmem>>
        %dma_wait3A_156 = tpu.memref_squeeze %dma_wait3A_155 : memref<1x100xi32, #tpu.memory_space<vmem>> -> memref<100xi32, #tpu.memory_space<vmem>>
        %dma_wait3A_157 = arith.constant 0 : i32
        %dma_wait3A_158 = arith.constant 0 : i32
        %dma_wait3A_159 = tpu.memref_slice %arg2[%dma_wait3A_157, %dma_wait3A_158] : memref<10000x128xf32, #tpu.memory_space<hbm>> -> memref<10000x128xf32, #tpu.memory_space<hbm>>
        tpu.wait_indirect_dma semaphore(%arg12 : memref<!tpu.dma_semaphore, #tpu.memory_space<semaphore_mem>>) src(%dma_wait3A_159 : memref<10000x128xf32, #tpu.memory_space<hbm>>) dst(%arg8 : memref<100x128xf32, #tpu.memory_space<vmem>>)
        %add3A_160 = arith.constant 3 : i32
        %add3A_161 = arith.addi %add3A_126, %add3A_160 : i32
        %lt3A_162 = arith.constant 25 : i32
        %lt3A_163 = arith.cmpi slt, %add3A_161, %lt3A_162 : i32
        %convert_element_type3A_164 = arith.extui %lt3A_163 : i1 to i32
        %cond3A_165 = arith.constant 0 : i32
        %cond3A_166 = arith.cmpi ne, %convert_element_type3A_164, %cond3A_165 : i32
        scf.if %cond3A_166 {
          %add3A_169 = arith.constant 3 : i32
          %add3A_170 = arith.addi %add3A_126, %add3A_169 : i32
          %dma_start3A_171 = arith.constant 0 : i32
          %dma_start3A_172 = tpu.memref_slice %arg5[%add3A_170, %dma_start3A_171] : memref<25x100xi32, #tpu.memory_space<vmem>> -> memref<1x100xi32, #tpu.memory_space<vmem>>
          %dma_start3A_173 = tpu.memref_squeeze %dma_start3A_172 : memref<1x100xi32, #tpu.memory_space<vmem>> -> memref<100xi32, #tpu.memory_space<vmem>>
          %dma_start3A_174 = arith.constant 0 : i32
          %dma_start3A_175 = arith.constant 0 : i32
          %dma_start3A_176 = tpu.memref_slice %arg2[%dma_start3A_174, %dma_start3A_175] : memref<10000x128xf32, #tpu.memory_space<hbm>> -> memref<10000x128xf32, #tpu.memory_space<hbm>>
          tpu.enqueue_indirect_dma source(%dma_start3A_176 : memref<10000x128xf32, #tpu.memory_space<hbm>>) target(%arg7 : memref<100x128xf32, #tpu.memory_space<vmem>>) offsets(%dma_start3A_173 : memref<100xi32, #tpu.memory_space<vmem>>) semaphore(%arg11 : memref<!tpu.dma_semaphore, #tpu.memory_space<semaphore_mem>>)
        } else {
        }
        %add3A_167 = arith.constant 1 : i32
        %add3A_168 = arith.addi %add3A_126, %add3A_167 : i32
        "tpu.region"() ({
          %run_scoped3A_169 = tpu.sem_alloc : memref<!tpu.dma_semaphore, #tpu.memory_space<semaphore_mem>>
          %dma_start3A_170 = arith.constant 0 : i32
          %dma_start3A_171 = tpu.memref_slice %arg6[%add3A_168, %dma_start3A_170] : memref<25x100xi32, #tpu.memory_space<vmem>> -> memref<1x100xi32, #tpu.memory_space<vmem>>
          %dma_start3A_172 = tpu.memref_squeeze %dma_start3A_171 : memref<1x100xi32, #tpu.memory_space<vmem>> -> memref<100xi32, #tpu.memory_space<vmem>>
          %dma_start3A_173 = arith.constant 0 : i32
          %dma_start3A_174 = arith.constant 0 : i32
          %dma_start3A_175 = tpu.memref_slice %arg10[%dma_start3A_173, %dma_start3A_174] : memref<10000x128xf32, #tpu.memory_space<vmem_shared>> -> memref<10000x128xf32, #tpu.memory_space<vmem_shared>>
          tpu.enqueue_indirect_dma source(%arg8 : memref<100x128xf32, #tpu.memory_space<vmem>>) target(%dma_start3A_175 : memref<10000x128xf32, #tpu.memory_space<vmem_shared>>) offsets(%dma_start3A_172 : memref<100xi32, #tpu.memory_space<vmem>>) semaphore(%run_scoped3A_169 : memref<!tpu.dma_semaphore, #tpu.memory_space<semaphore_mem>>) {add = true}
          %dma_wait3A_176 = arith.constant 0 : i32
          %dma_wait3A_177 = tpu.memref_slice %arg6[%add3A_168, %dma_wait3A_176] : memref<25x100xi32, #tpu.memory_space<vmem>> -> memref<1x100xi32, #tpu.memory_space<vmem>>
          %dma_wait3A_178 = tpu.memref_squeeze %dma_wait3A_177 : memref<1x100xi32, #tpu.memory_space<vmem>> -> memref<100xi32, #tpu.memory_space<vmem>>
          %dma_wait3A_179 = arith.constant 0 : i32
          %dma_wait3A_180 = arith.constant 0 : i32
          %dma_wait3A_181 = tpu.memref_slice %arg10[%dma_wait3A_179, %dma_wait3A_180] : memref<10000x128xf32, #tpu.memory_space<vmem_shared>> -> memref<10000x128xf32, #tpu.memory_space<vmem_shared>>
          tpu.wait_indirect_dma semaphore(%run_scoped3A_169 : memref<!tpu.dma_semaphore, #tpu.memory_space<semaphore_mem>>) src(%arg8 : memref<100x128xf32, #tpu.memory_space<vmem>>) dst(%dma_wait3A_181 : memref<10000x128xf32, #tpu.memory_space<vmem_shared>>)
          tpu.yield
        }) : () -> ()
      } else {
      }
      %add3A_145 = arith.constant 2 : i32
      %add3A_146 = arith.addi %add3A_126, %add3A_145 : i32
      %lt3A_147 = arith.constant 25 : i32
      %lt3A_148 = arith.cmpi slt, %add3A_146, %lt3A_147 : i32
      %convert_element_type3A_149 = arith.extui %lt3A_148 : i1 to i32
      %cond3A_150 = arith.constant 0 : i32
      %cond3A_151 = arith.cmpi ne, %convert_element_type3A_149, %cond3A_150 : i32
      scf.if %cond3A_151 {
        %add3A_152 = arith.constant 2 : i32
        %add3A_153 = arith.addi %add3A_126, %add3A_152 : i32
        %dma_wait3A_154 = arith.constant 0 : i32
        %dma_wait3A_155 = tpu.memref_slice %arg5[%add3A_153, %dma_wait3A_154] : memref<25x100xi32, #tpu.memory_space<vmem>> -> memref<1x100xi32, #tpu.memory_space<vmem>>
        %dma_wait3A_156 = tpu.memref_squeeze %dma_wait3A_155 : memref<1x100xi32, #tpu.memory_space<vmem>> -> memref<100xi32, #tpu.memory_space<vmem>>
        %dma_wait3A_157 = arith.constant 0 : i32
        %dma_wait3A_158 = arith.constant 0 : i32
        %dma_wait3A_159 = tpu.memref_slice %arg2[%dma_wait3A_157, %dma_wait3A_158] : memref<10000x128xf32, #tpu.memory_space<hbm>> -> memref<10000x128xf32, #tpu.memory_space<hbm>>
        tpu.wait_indirect_dma semaphore(%arg13 : memref<!tpu.dma_semaphore, #tpu.memory_space<semaphore_mem>>) src(%dma_wait3A_159 : memref<10000x128xf32, #tpu.memory_space<hbm>>) dst(%arg9 : memref<100x128xf32, #tpu.memory_space<vmem>>)
        %add3A_160 = arith.constant 4 : i32
        %add3A_161 = arith.addi %add3A_126, %add3A_160 : i32
        %lt3A_162 = arith.constant 25 : i32
        %lt3A_163 = arith.cmpi slt, %add3A_161, %lt3A_162 : i32
        %convert_element_type3A_164 = arith.extui %lt3A_163 : i1 to i32
        %cond3A_165 = arith.constant 0 : i32
        %cond3A_166 = arith.cmpi ne, %convert_element_type3A_164, %cond3A_165 : i32
        scf.if %cond3A_166 {
          %add3A_169 = arith.constant 4 : i32
          %add3A_170 = arith.addi %add3A_126, %add3A_169 : i32
          %dma_start3A_171 = arith.constant 0 : i32
          %dma_start3A_172 = tpu.memref_slice %arg5[%add3A_170, %dma_start3A_171] : memref<25x100xi32, #tpu.memory_space<vmem>> -> memref<1x100xi32, #tpu.memory_space<vmem>>
          %dma_start3A_173 = tpu.memref_squeeze %dma_start3A_172 : memref<1x100xi32, #tpu.memory_space<vmem>> -> memref<100xi32, #tpu.memory_space<vmem>>
          %dma_start3A_174 = arith.constant 0 : i32
          %dma_start3A_175 = arith.constant 0 : i32
          %dma_start3A_176 = tpu.memref_slice %arg2[%dma_start3A_174, %dma_start3A_175] : memref<10000x128xf32, #tpu.memory_space<hbm>> -> memref<10000x128xf32, #tpu.memory_space<hbm>>
          tpu.enqueue_indirect_dma source(%dma_start3A_176 : memref<10000x128xf32, #tpu.memory_space<hbm>>) target(%arg8 : memref<100x128xf32, #tpu.memory_space<vmem>>) offsets(%dma_start3A_173 : memref<100xi32, #tpu.memory_space<vmem>>) semaphore(%arg12 : memref<!tpu.dma_semaphore, #tpu.memory_space<semaphore_mem>>)
        } else {
        }
        %add3A_167 = arith.constant 2 : i32
        %add3A_168 = arith.addi %add3A_126, %add3A_167 : i32
        "tpu.region"() ({
          %run_scoped3A_169 = tpu.sem_alloc : memref<!tpu.dma_semaphore, #tpu.memory_space<semaphore_mem>>
          %dma_start3A_170 = arith.constant 0 : i32
          %dma_start3A_171 = tpu.memref_slice %arg6[%add3A_168, %dma_start3A_170] : memref<25x100xi32, #tpu.memory_space<vmem>> -> memref<1x100xi32, #tpu.memory_space<vmem>>
          %dma_start3A_172 = tpu.memref_squeeze %dma_start3A_171 : memref<1x100xi32, #tpu.memory_space<vmem>> -> memref<100xi32, #tpu.memory_space<vmem>>
          %dma_start3A_173 = arith.constant 0 : i32
          %dma_start3A_174 = arith.constant 0 : i32
          %dma_start3A_175 = tpu.memref_slice %arg10[%dma_start3A_173, %dma_start3A_174] : memref<10000x128xf32, #tpu.memory_space<vmem_shared>> -> memref<10000x128xf32, #tpu.memory_space<vmem_shared>>
          tpu.enqueue_indirect_dma source(%arg9 : memref<100x128xf32, #tpu.memory_space<vmem>>) target(%dma_start3A_175 : memref<10000x128xf32, #tpu.memory_space<vmem_shared>>) offsets(%dma_start3A_172 : memref<100xi32, #tpu.memory_space<vmem>>) semaphore(%run_scoped3A_169 : memref<!tpu.dma_semaphore, #tpu.memory_space<semaphore_mem>>) {add = true}
          %dma_wait3A_176 = arith.constant 0 : i32
          %dma_wait3A_177 = tpu.memref_slice %arg6[%add3A_168, %dma_wait3A_176] : memref<25x100xi32, #tpu.memory_space<vmem>> -> memref<1x100xi32, #tpu.memory_space<vmem>>
          %dma_wait3A_178 = tpu.memref_squeeze %dma_wait3A_177 : memref<1x100xi32, #tpu.memory_space<vmem>> -> memref<100xi32, #tpu.memory_space<vmem>>
          %dma_wait3A_179 = arith.constant 0 : i32
          %dma_wait3A_180 = arith.constant 0 : i32
          %dma_wait3A_181 = tpu.memref_slice %arg10[%dma_wait3A_179, %dma_wait3A_180] : memref<10000x128xf32, #tpu.memory_space<vmem_shared>> -> memref<10000x128xf32, #tpu.memory_space<vmem_shared>>
          tpu.wait_indirect_dma semaphore(%run_scoped3A_169 : memref<!tpu.dma_semaphore, #tpu.memory_space<semaphore_mem>>) src(%arg9 : memref<100x128xf32, #tpu.memory_space<vmem>>) dst(%dma_wait3A_181 : memref<10000x128xf32, #tpu.memory_space<vmem_shared>>)
          tpu.yield
        }) : () -> ()
      } else {
      }
    }
    %scan3A_69 = arith.constant 9 : i32
    %run_scoped3A_70 = arith.constant 0 : i32
    %run_scoped3A_71 = arith.constant 2 : i32
    "tpu.region"() ({
      %run_scoped3A_122 = tpu.sem_alloc : memref<!tpu.dma_semaphore, #tpu.memory_space<semaphore_mem>>
      %dma_start3A_123 = arith.constant 0 : i32
      %dma_start3A_124 = arith.constant 0 : i32
      %dma_start3A_125 = tpu.memref_slice %arg3[%run_scoped3A_70, %add3A, %run_scoped3A_71, %dma_start3A_123, %dma_start3A_124] : memref<2x32x4x25x100xi32, #tpu.memory_space<hbm>> -> memref<1x1x1x25x100xi32, #tpu.memory_space<hbm>>
      %dma_start3A_126 = tpu.memref_squeeze %dma_start3A_125 : memref<1x1x1x25x100xi32, #tpu.memory_space<hbm>> -> memref<25x100xi32, #tpu.memory_space<hbm>>
      %dma_start3A_127 = arith.constant 0 : i32
      %dma_start3A_128 = arith.constant 0 : i32
      %dma_start3A_129 = tpu.memref_slice %arg3[%run_scoped3A_70, %add3A, %run_scoped3A_71, %dma_start3A_127, %dma_start3A_128] : memref<2x32x4x25x100xi32, #tpu.memory_space<hbm>> -> memref<1x1x1x25x100xi32, #tpu.memory_space<hbm>>
      %dma_start3A_130 = tpu.memref_squeeze %dma_start3A_129 : memref<1x1x1x25x100xi32, #tpu.memory_space<hbm>> -> memref<25x100xi32, #tpu.memory_space<hbm>>
      tpu.enqueue_dma source(%dma_start3A_130 : memref<25x100xi32, #tpu.memory_space<hbm>>) target(%arg5 : memref<25x100xi32, #tpu.memory_space<vmem>>) target_semaphore(%run_scoped3A_122 : memref<!tpu.dma_semaphore, #tpu.memory_space<semaphore_mem>>)
      %dma_wait3A = arith.constant 0 : i32
      %dma_wait3A_131 = arith.constant 0 : i32
      %dma_wait3A_132 = tpu.memref_slice %arg3[%run_scoped3A_70, %add3A, %run_scoped3A_71, %dma_wait3A, %dma_wait3A_131] : memref<2x32x4x25x100xi32, #tpu.memory_space<hbm>> -> memref<1x1x1x25x100xi32, #tpu.memory_space<hbm>>
      %dma_wait3A_133 = tpu.memref_squeeze %dma_wait3A_132 : memref<1x1x1x25x100xi32, #tpu.memory_space<hbm>> -> memref<25x100xi32, #tpu.memory_space<hbm>>
      %dma_wait3A_134 = arith.constant 0 : i32
      %dma_wait3A_135 = arith.constant 0 : i32
      %dma_wait3A_136 = tpu.memref_slice %arg3[%run_scoped3A_70, %add3A, %run_scoped3A_71, %dma_wait3A_134, %dma_wait3A_135] : memref<2x32x4x25x100xi32, #tpu.memory_space<hbm>> -> memref<1x1x1x25x100xi32, #tpu.memory_space<hbm>>
      %dma_wait3A_137 = tpu.memref_squeeze %dma_wait3A_136 : memref<1x1x1x25x100xi32, #tpu.memory_space<hbm>> -> memref<25x100xi32, #tpu.memory_space<hbm>>
      tpu.wait_dma2 semaphore(%run_scoped3A_122 : memref<!tpu.dma_semaphore, #tpu.memory_space<semaphore_mem>>) src(%dma_wait3A_137 : memref<25x100xi32, #tpu.memory_space<hbm>>) dst(%arg5 : memref<25x100xi32, #tpu.memory_space<vmem>>)
      tpu.yield
    }) : () -> ()
    %run_scoped3A_72 = arith.constant 1 : i32
    %run_scoped3A_73 = arith.constant 2 : i32
    "tpu.region"() ({
      %run_scoped3A_122 = tpu.sem_alloc : memref<!tpu.dma_semaphore, #tpu.memory_space<semaphore_mem>>
      %dma_start3A_123 = arith.constant 0 : i32
      %dma_start3A_124 = arith.constant 0 : i32
      %dma_start3A_125 = tpu.memref_slice %arg3[%run_scoped3A_72, %add3A, %run_scoped3A_73, %dma_start3A_123, %dma_start3A_124] : memref<2x32x4x25x100xi32, #tpu.memory_space<hbm>> -> memref<1x1x1x25x100xi32, #tpu.memory_space<hbm>>
      %dma_start3A_126 = tpu.memref_squeeze %dma_start3A_125 : memref<1x1x1x25x100xi32, #tpu.memory_space<hbm>> -> memref<25x100xi32, #tpu.memory_space<hbm>>
      %dma_start3A_127 = arith.constant 0 : i32
      %dma_start3A_128 = arith.constant 0 : i32
      %dma_start3A_129 = tpu.memref_slice %arg3[%run_scoped3A_72, %add3A, %run_scoped3A_73, %dma_start3A_127, %dma_start3A_128] : memref<2x32x4x25x100xi32, #tpu.memory_space<hbm>> -> memref<1x1x1x25x100xi32, #tpu.memory_space<hbm>>
      %dma_start3A_130 = tpu.memref_squeeze %dma_start3A_129 : memref<1x1x1x25x100xi32, #tpu.memory_space<hbm>> -> memref<25x100xi32, #tpu.memory_space<hbm>>
      tpu.enqueue_dma source(%dma_start3A_130 : memref<25x100xi32, #tpu.memory_space<hbm>>) target(%arg6 : memref<25x100xi32, #tpu.memory_space<vmem>>) target_semaphore(%run_scoped3A_122 : memref<!tpu.dma_semaphore, #tpu.memory_space<semaphore_mem>>)
      %dma_wait3A = arith.constant 0 : i32
      %dma_wait3A_131 = arith.constant 0 : i32
      %dma_wait3A_132 = tpu.memref_slice %arg3[%run_scoped3A_72, %add3A, %run_scoped3A_73, %dma_wait3A, %dma_wait3A_131] : memref<2x32x4x25x100xi32, #tpu.memory_space<hbm>> -> memref<1x1x1x25x100xi32, #tpu.memory_space<hbm>>
      %dma_wait3A_133 = tpu.memref_squeeze %dma_wait3A_132 : memref<1x1x1x25x100xi32, #tpu.memory_space<hbm>> -> memref<25x100xi32, #tpu.memory_space<hbm>>
      %dma_wait3A_134 = arith.constant 0 : i32
      %dma_wait3A_135 = arith.constant 0 : i32
      %dma_wait3A_136 = tpu.memref_slice %arg3[%run_scoped3A_72, %add3A, %run_scoped3A_73, %dma_wait3A_134, %dma_wait3A_135] : memref<2x32x4x25x100xi32, #tpu.memory_space<hbm>> -> memref<1x1x1x25x100xi32, #tpu.memory_space<hbm>>
      %dma_wait3A_137 = tpu.memref_squeeze %dma_wait3A_136 : memref<1x1x1x25x100xi32, #tpu.memory_space<hbm>> -> memref<25x100xi32, #tpu.memory_space<hbm>>
      tpu.wait_dma2 semaphore(%run_scoped3A_122 : memref<!tpu.dma_semaphore, #tpu.memory_space<semaphore_mem>>) src(%dma_wait3A_137 : memref<25x100xi32, #tpu.memory_space<hbm>>) dst(%arg6 : memref<25x100xi32, #tpu.memory_space<vmem>>)
      tpu.yield
    }) : () -> ()
    %dma_start3A_74 = arith.constant 0 : i32
    %dma_start3A_75 = arith.constant 0 : i32
    %dma_start3A_76 = tpu.memref_slice %arg5[%dma_start3A_74, %dma_start3A_75] : memref<25x100xi32, #tpu.memory_space<vmem>> -> memref<1x100xi32, #tpu.memory_space<vmem>>
    %dma_start3A_77 = tpu.memref_squeeze %dma_start3A_76 : memref<1x100xi32, #tpu.memory_space<vmem>> -> memref<100xi32, #tpu.memory_space<vmem>>
    %dma_start3A_78 = arith.constant 0 : i32
    %dma_start3A_79 = arith.constant 0 : i32
    %dma_start3A_80 = tpu.memref_slice %arg2[%dma_start3A_78, %dma_start3A_79] : memref<10000x128xf32, #tpu.memory_space<hbm>> -> memref<10000x128xf32, #tpu.memory_space<hbm>>
    tpu.enqueue_indirect_dma source(%dma_start3A_80 : memref<10000x128xf32, #tpu.memory_space<hbm>>) target(%arg7 : memref<100x128xf32, #tpu.memory_space<vmem>>) offsets(%dma_start3A_77 : memref<100xi32, #tpu.memory_space<vmem>>) semaphore(%arg11 : memref<!tpu.dma_semaphore, #tpu.memory_space<semaphore_mem>>)
    %dma_start3A_81 = arith.constant 1 : i32
    %dma_start3A_82 = arith.constant 0 : i32
    %dma_start3A_83 = tpu.memref_slice %arg5[%dma_start3A_81, %dma_start3A_82] : memref<25x100xi32, #tpu.memory_space<vmem>> -> memref<1x100xi32, #tpu.memory_space<vmem>>
    %dma_start3A_84 = tpu.memref_squeeze %dma_start3A_83 : memref<1x100xi32, #tpu.memory_space<vmem>> -> memref<100xi32, #tpu.memory_space<vmem>>
    %dma_start3A_85 = arith.constant 0 : i32
    %dma_start3A_86 = arith.constant 0 : i32
    %dma_start3A_87 = tpu.memref_slice %arg2[%dma_start3A_85, %dma_start3A_86] : memref<10000x128xf32, #tpu.memory_space<hbm>> -> memref<10000x128xf32, #tpu.memory_space<hbm>>
    tpu.enqueue_indirect_dma source(%dma_start3A_87 : memref<10000x128xf32, #tpu.memory_space<hbm>>) target(%arg8 : memref<100x128xf32, #tpu.memory_space<vmem>>) offsets(%dma_start3A_84 : memref<100xi32, #tpu.memory_space<vmem>>) semaphore(%arg12 : memref<!tpu.dma_semaphore, #tpu.memory_space<semaphore_mem>>)
    %scan3A_88 = arith.constant 0 : i32
    %scan3A_89 = arith.constant 9 : i32
    %scan3A_90 = arith.addi %scan3A_88, %scan3A_89 : i32
    %scan3A_91 = arith.constant 1 : i32
    scf.for %scan3A_122 = %scan3A_88 to %scan3A_90 step %scan3A_91  : i32 {
      %mul3A_123 = arith.constant 3 : i32
      %mul3A_124 = arith.muli %scan3A_122, %mul3A_123 : i32
      %add3A_125 = arith.constant 0 : i32
      %add3A_126 = arith.addi %add3A_125, %mul3A_124 : i32
      %dma_wait3A = arith.constant 0 : i32
      %dma_wait3A_127 = tpu.memref_slice %arg5[%add3A_126, %dma_wait3A] : memref<25x100xi32, #tpu.memory_space<vmem>> -> memref<1x100xi32, #tpu.memory_space<vmem>>
      %dma_wait3A_128 = tpu.memref_squeeze %dma_wait3A_127 : memref<1x100xi32, #tpu.memory_space<vmem>> -> memref<100xi32, #tpu.memory_space<vmem>>
      %dma_wait3A_129 = arith.constant 0 : i32
      %dma_wait3A_130 = arith.constant 0 : i32
      %dma_wait3A_131 = tpu.memref_slice %arg2[%dma_wait3A_129, %dma_wait3A_130] : memref<10000x128xf32, #tpu.memory_space<hbm>> -> memref<10000x128xf32, #tpu.memory_space<hbm>>
      tpu.wait_indirect_dma semaphore(%arg11 : memref<!tpu.dma_semaphore, #tpu.memory_space<semaphore_mem>>) src(%dma_wait3A_131 : memref<10000x128xf32, #tpu.memory_space<hbm>>) dst(%arg7 : memref<100x128xf32, #tpu.memory_space<vmem>>)
      %add3A_132 = arith.constant 2 : i32
      %add3A_133 = arith.addi %add3A_126, %add3A_132 : i32
      %lt3A = arith.constant 25 : i32
      %lt3A_134 = arith.cmpi slt, %add3A_133, %lt3A : i32
      %convert_element_type3A_135 = arith.extui %lt3A_134 : i1 to i32
      %cond3A_136 = arith.constant 0 : i32
      %cond3A_137 = arith.cmpi ne, %convert_element_type3A_135, %cond3A_136 : i32
      scf.if %cond3A_137 {
        %add3A_152 = arith.constant 2 : i32
        %add3A_153 = arith.addi %add3A_126, %add3A_152 : i32
        %dma_start3A_154 = arith.constant 0 : i32
        %dma_start3A_155 = tpu.memref_slice %arg5[%add3A_153, %dma_start3A_154] : memref<25x100xi32, #tpu.memory_space<vmem>> -> memref<1x100xi32, #tpu.memory_space<vmem>>
        %dma_start3A_156 = tpu.memref_squeeze %dma_start3A_155 : memref<1x100xi32, #tpu.memory_space<vmem>> -> memref<100xi32, #tpu.memory_space<vmem>>
        %dma_start3A_157 = arith.constant 0 : i32
        %dma_start3A_158 = arith.constant 0 : i32
        %dma_start3A_159 = tpu.memref_slice %arg2[%dma_start3A_157, %dma_start3A_158] : memref<10000x128xf32, #tpu.memory_space<hbm>> -> memref<10000x128xf32, #tpu.memory_space<hbm>>
        tpu.enqueue_indirect_dma source(%dma_start3A_159 : memref<10000x128xf32, #tpu.memory_space<hbm>>) target(%arg9 : memref<100x128xf32, #tpu.memory_space<vmem>>) offsets(%dma_start3A_156 : memref<100xi32, #tpu.memory_space<vmem>>) semaphore(%arg13 : memref<!tpu.dma_semaphore, #tpu.memory_space<semaphore_mem>>)
      } else {
      }
      "tpu.region"() ({
        %run_scoped3A_152 = tpu.sem_alloc : memref<!tpu.dma_semaphore, #tpu.memory_space<semaphore_mem>>
        %dma_start3A_153 = arith.constant 0 : i32
        %dma_start3A_154 = tpu.memref_slice %arg6[%add3A_126, %dma_start3A_153] : memref<25x100xi32, #tpu.memory_space<vmem>> -> memref<1x100xi32, #tpu.memory_space<vmem>>
        %dma_start3A_155 = tpu.memref_squeeze %dma_start3A_154 : memref<1x100xi32, #tpu.memory_space<vmem>> -> memref<100xi32, #tpu.memory_space<vmem>>
        %dma_start3A_156 = arith.constant 0 : i32
        %dma_start3A_157 = arith.constant 0 : i32
        %dma_start3A_158 = tpu.memref_slice %arg10[%dma_start3A_156, %dma_start3A_157] : memref<10000x128xf32, #tpu.memory_space<vmem_shared>> -> memref<10000x128xf32, #tpu.memory_space<vmem_shared>>
        tpu.enqueue_indirect_dma source(%arg7 : memref<100x128xf32, #tpu.memory_space<vmem>>) target(%dma_start3A_158 : memref<10000x128xf32, #tpu.memory_space<vmem_shared>>) offsets(%dma_start3A_155 : memref<100xi32, #tpu.memory_space<vmem>>) semaphore(%run_scoped3A_152 : memref<!tpu.dma_semaphore, #tpu.memory_space<semaphore_mem>>) {add = true}
        %dma_wait3A_159 = arith.constant 0 : i32
        %dma_wait3A_160 = tpu.memref_slice %arg6[%add3A_126, %dma_wait3A_159] : memref<25x100xi32, #tpu.memory_space<vmem>> -> memref<1x100xi32, #tpu.memory_space<vmem>>
        %dma_wait3A_161 = tpu.memref_squeeze %dma_wait3A_160 : memref<1x100xi32, #tpu.memory_space<vmem>> -> memref<100xi32, #tpu.memory_space<vmem>>
        %dma_wait3A_162 = arith.constant 0 : i32
        %dma_wait3A_163 = arith.constant 0 : i32
        %dma_wait3A_164 = tpu.memref_slice %arg10[%dma_wait3A_162, %dma_wait3A_163] : memref<10000x128xf32, #tpu.memory_space<vmem_shared>> -> memref<10000x128xf32, #tpu.memory_space<vmem_shared>>
        tpu.wait_indirect_dma semaphore(%run_scoped3A_152 : memref<!tpu.dma_semaphore, #tpu.memory_space<semaphore_mem>>) src(%arg7 : memref<100x128xf32, #tpu.memory_space<vmem>>) dst(%dma_wait3A_164 : memref<10000x128xf32, #tpu.memory_space<vmem_shared>>)
        tpu.yield
      }) : () -> ()
      %add3A_138 = arith.constant 1 : i32
      %add3A_139 = arith.addi %add3A_126, %add3A_138 : i32
      %lt3A_140 = arith.constant 25 : i32
      %lt3A_141 = arith.cmpi slt, %add3A_139, %lt3A_140 : i32
      %convert_element_type3A_142 = arith.extui %lt3A_141 : i1 to i32
      %cond3A_143 = arith.constant 0 : i32
      %cond3A_144 = arith.cmpi ne, %convert_element_type3A_142, %cond3A_143 : i32
      scf.if %cond3A_144 {
        %add3A_152 = arith.constant 1 : i32
        %add3A_153 = arith.addi %add3A_126, %add3A_152 : i32
        %dma_wait3A_154 = arith.constant 0 : i32
        %dma_wait3A_155 = tpu.memref_slice %arg5[%add3A_153, %dma_wait3A_154] : memref<25x100xi32, #tpu.memory_space<vmem>> -> memref<1x100xi32, #tpu.memory_space<vmem>>
        %dma_wait3A_156 = tpu.memref_squeeze %dma_wait3A_155 : memref<1x100xi32, #tpu.memory_space<vmem>> -> memref<100xi32, #tpu.memory_space<vmem>>
        %dma_wait3A_157 = arith.constant 0 : i32
        %dma_wait3A_158 = arith.constant 0 : i32
        %dma_wait3A_159 = tpu.memref_slice %arg2[%dma_wait3A_157, %dma_wait3A_158] : memref<10000x128xf32, #tpu.memory_space<hbm>> -> memref<10000x128xf32, #tpu.memory_space<hbm>>
        tpu.wait_indirect_dma semaphore(%arg12 : memref<!tpu.dma_semaphore, #tpu.memory_space<semaphore_mem>>) src(%dma_wait3A_159 : memref<10000x128xf32, #tpu.memory_space<hbm>>) dst(%arg8 : memref<100x128xf32, #tpu.memory_space<vmem>>)
        %add3A_160 = arith.constant 3 : i32
        %add3A_161 = arith.addi %add3A_126, %add3A_160 : i32
        %lt3A_162 = arith.constant 25 : i32
        %lt3A_163 = arith.cmpi slt, %add3A_161, %lt3A_162 : i32
        %convert_element_type3A_164 = arith.extui %lt3A_163 : i1 to i32
        %cond3A_165 = arith.constant 0 : i32
        %cond3A_166 = arith.cmpi ne, %convert_element_type3A_164, %cond3A_165 : i32
        scf.if %cond3A_166 {
          %add3A_169 = arith.constant 3 : i32
          %add3A_170 = arith.addi %add3A_126, %add3A_169 : i32
          %dma_start3A_171 = arith.constant 0 : i32
          %dma_start3A_172 = tpu.memref_slice %arg5[%add3A_170, %dma_start3A_171] : memref<25x100xi32, #tpu.memory_space<vmem>> -> memref<1x100xi32, #tpu.memory_space<vmem>>
          %dma_start3A_173 = tpu.memref_squeeze %dma_start3A_172 : memref<1x100xi32, #tpu.memory_space<vmem>> -> memref<100xi32, #tpu.memory_space<vmem>>
          %dma_start3A_174 = arith.constant 0 : i32
          %dma_start3A_175 = arith.constant 0 : i32
          %dma_start3A_176 = tpu.memref_slice %arg2[%dma_start3A_174, %dma_start3A_175] : memref<10000x128xf32, #tpu.memory_space<hbm>> -> memref<10000x128xf32, #tpu.memory_space<hbm>>
          tpu.enqueue_indirect_dma source(%dma_start3A_176 : memref<10000x128xf32, #tpu.memory_space<hbm>>) target(%arg7 : memref<100x128xf32, #tpu.memory_space<vmem>>) offsets(%dma_start3A_173 : memref<100xi32, #tpu.memory_space<vmem>>) semaphore(%arg11 : memref<!tpu.dma_semaphore, #tpu.memory_space<semaphore_mem>>)
        } else {
        }
        %add3A_167 = arith.constant 1 : i32
        %add3A_168 = arith.addi %add3A_126, %add3A_167 : i32
        "tpu.region"() ({
          %run_scoped3A_169 = tpu.sem_alloc : memref<!tpu.dma_semaphore, #tpu.memory_space<semaphore_mem>>
          %dma_start3A_170 = arith.constant 0 : i32
          %dma_start3A_171 = tpu.memref_slice %arg6[%add3A_168, %dma_start3A_170] : memref<25x100xi32, #tpu.memory_space<vmem>> -> memref<1x100xi32, #tpu.memory_space<vmem>>
          %dma_start3A_172 = tpu.memref_squeeze %dma_start3A_171 : memref<1x100xi32, #tpu.memory_space<vmem>> -> memref<100xi32, #tpu.memory_space<vmem>>
          %dma_start3A_173 = arith.constant 0 : i32
          %dma_start3A_174 = arith.constant 0 : i32
          %dma_start3A_175 = tpu.memref_slice %arg10[%dma_start3A_173, %dma_start3A_174] : memref<10000x128xf32, #tpu.memory_space<vmem_shared>> -> memref<10000x128xf32, #tpu.memory_space<vmem_shared>>
          tpu.enqueue_indirect_dma source(%arg8 : memref<100x128xf32, #tpu.memory_space<vmem>>) target(%dma_start3A_175 : memref<10000x128xf32, #tpu.memory_space<vmem_shared>>) offsets(%dma_start3A_172 : memref<100xi32, #tpu.memory_space<vmem>>) semaphore(%run_scoped3A_169 : memref<!tpu.dma_semaphore, #tpu.memory_space<semaphore_mem>>) {add = true}
          %dma_wait3A_176 = arith.constant 0 : i32
          %dma_wait3A_177 = tpu.memref_slice %arg6[%add3A_168, %dma_wait3A_176] : memref<25x100xi32, #tpu.memory_space<vmem>> -> memref<1x100xi32, #tpu.memory_space<vmem>>
          %dma_wait3A_178 = tpu.memref_squeeze %dma_wait3A_177 : memref<1x100xi32, #tpu.memory_space<vmem>> -> memref<100xi32, #tpu.memory_space<vmem>>
          %dma_wait3A_179 = arith.constant 0 : i32
          %dma_wait3A_180 = arith.constant 0 : i32
          %dma_wait3A_181 = tpu.memref_slice %arg10[%dma_wait3A_179, %dma_wait3A_180] : memref<10000x128xf32, #tpu.memory_space<vmem_shared>> -> memref<10000x128xf32, #tpu.memory_space<vmem_shared>>
          tpu.wait_indirect_dma semaphore(%run_scoped3A_169 : memref<!tpu.dma_semaphore, #tpu.memory_space<semaphore_mem>>) src(%arg8 : memref<100x128xf32, #tpu.memory_space<vmem>>) dst(%dma_wait3A_181 : memref<10000x128xf32, #tpu.memory_space<vmem_shared>>)
          tpu.yield
        }) : () -> ()
      } else {
      }
      %add3A_145 = arith.constant 2 : i32
      %add3A_146 = arith.addi %add3A_126, %add3A_145 : i32
      %lt3A_147 = arith.constant 25 : i32
      %lt3A_148 = arith.cmpi slt, %add3A_146, %lt3A_147 : i32
      %convert_element_type3A_149 = arith.extui %lt3A_148 : i1 to i32
      %cond3A_150 = arith.constant 0 : i32
      %cond3A_151 = arith.cmpi ne, %convert_element_type3A_149, %cond3A_150 : i32
      scf.if %cond3A_151 {
        %add3A_152 = arith.constant 2 : i32
        %add3A_153 = arith.addi %add3A_126, %add3A_152 : i32
        %dma_wait3A_154 = arith.constant 0 : i32
        %dma_wait3A_155 = tpu.memref_slice %arg5[%add3A_153, %dma_wait3A_154] : memref<25x100xi32, #tpu.memory_space<vmem>> -> memref<1x100xi32, #tpu.memory_space<vmem>>
        %dma_wait3A_156 = tpu.memref_squeeze %dma_wait3A_155 : memref<1x100xi32, #tpu.memory_space<vmem>> -> memref<100xi32, #tpu.memory_space<vmem>>
        %dma_wait3A_157 = arith.constant 0 : i32
        %dma_wait3A_158 = arith.constant 0 : i32
        %dma_wait3A_159 = tpu.memref_slice %arg2[%dma_wait3A_157, %dma_wait3A_158] : memref<10000x128xf32, #tpu.memory_space<hbm>> -> memref<10000x128xf32, #tpu.memory_space<hbm>>
        tpu.wait_indirect_dma semaphore(%arg13 : memref<!tpu.dma_semaphore, #tpu.memory_space<semaphore_mem>>) src(%dma_wait3A_159 : memref<10000x128xf32, #tpu.memory_space<hbm>>) dst(%arg9 : memref<100x128xf32, #tpu.memory_space<vmem>>)
        %add3A_160 = arith.constant 4 : i32
        %add3A_161 = arith.addi %add3A_126, %add3A_160 : i32
        %lt3A_162 = arith.constant 25 : i32
        %lt3A_163 = arith.cmpi slt, %add3A_161, %lt3A_162 : i32
        %convert_element_type3A_164 = arith.extui %lt3A_163 : i1 to i32
        %cond3A_165 = arith.constant 0 : i32
        %cond3A_166 = arith.cmpi ne, %convert_element_type3A_164, %cond3A_165 : i32
        scf.if %cond3A_166 {
          %add3A_169 = arith.constant 4 : i32
          %add3A_170 = arith.addi %add3A_126, %add3A_169 : i32
          %dma_start3A_171 = arith.constant 0 : i32
          %dma_start3A_172 = tpu.memref_slice %arg5[%add3A_170, %dma_start3A_171] : memref<25x100xi32, #tpu.memory_space<vmem>> -> memref<1x100xi32, #tpu.memory_space<vmem>>
          %dma_start3A_173 = tpu.memref_squeeze %dma_start3A_172 : memref<1x100xi32, #tpu.memory_space<vmem>> -> memref<100xi32, #tpu.memory_space<vmem>>
          %dma_start3A_174 = arith.constant 0 : i32
          %dma_start3A_175 = arith.constant 0 : i32
          %dma_start3A_176 = tpu.memref_slice %arg2[%dma_start3A_174, %dma_start3A_175] : memref<10000x128xf32, #tpu.memory_space<hbm>> -> memref<10000x128xf32, #tpu.memory_space<hbm>>
          tpu.enqueue_indirect_dma source(%dma_start3A_176 : memref<10000x128xf32, #tpu.memory_space<hbm>>) target(%arg8 : memref<100x128xf32, #tpu.memory_space<vmem>>) offsets(%dma_start3A_173 : memref<100xi32, #tpu.memory_space<vmem>>) semaphore(%arg12 : memref<!tpu.dma_semaphore, #tpu.memory_space<semaphore_mem>>)
        } else {
        }
        %add3A_167 = arith.constant 2 : i32
        %add3A_168 = arith.addi %add3A_126, %add3A_167 : i32
        "tpu.region"() ({
          %run_scoped3A_169 = tpu.sem_alloc : memref<!tpu.dma_semaphore, #tpu.memory_space<semaphore_mem>>
          %dma_start3A_170 = arith.constant 0 : i32
          %dma_start3A_171 = tpu.memref_slice %arg6[%add3A_168, %dma_start3A_170] : memref<25x100xi32, #tpu.memory_space<vmem>> -> memref<1x100xi32, #tpu.memory_space<vmem>>
          %dma_start3A_172 = tpu.memref_squeeze %dma_start3A_171 : memref<1x100xi32, #tpu.memory_space<vmem>> -> memref<100xi32, #tpu.memory_space<vmem>>
          %dma_start3A_173 = arith.constant 0 : i32
          %dma_start3A_174 = arith.constant 0 : i32
          %dma_start3A_175 = tpu.memref_slice %arg10[%dma_start3A_173, %dma_start3A_174] : memref<10000x128xf32, #tpu.memory_space<vmem_shared>> -> memref<10000x128xf32, #tpu.memory_space<vmem_shared>>
          tpu.enqueue_indirect_dma source(%arg9 : memref<100x128xf32, #tpu.memory_space<vmem>>) target(%dma_start3A_175 : memref<10000x128xf32, #tpu.memory_space<vmem_shared>>) offsets(%dma_start3A_172 : memref<100xi32, #tpu.memory_space<vmem>>) semaphore(%run_scoped3A_169 : memref<!tpu.dma_semaphore, #tpu.memory_space<semaphore_mem>>) {add = true}
          %dma_wait3A_176 = arith.constant 0 : i32
          %dma_wait3A_177 = tpu.memref_slice %arg6[%add3A_168, %dma_wait3A_176] : memref<25x100xi32, #tpu.memory_space<vmem>> -> memref<1x100xi32, #tpu.memory_space<vmem>>
          %dma_wait3A_178 = tpu.memref_squeeze %dma_wait3A_177 : memref<1x100xi32, #tpu.memory_space<vmem>> -> memref<100xi32, #tpu.memory_space<vmem>>
          %dma_wait3A_179 = arith.constant 0 : i32
          %dma_wait3A_180 = arith.constant 0 : i32
          %dma_wait3A_181 = tpu.memref_slice %arg10[%dma_wait3A_179, %dma_wait3A_180] : memref<10000x128xf32, #tpu.memory_space<vmem_shared>> -> memref<10000x128xf32, #tpu.memory_space<vmem_shared>>
          tpu.wait_indirect_dma semaphore(%run_scoped3A_169 : memref<!tpu.dma_semaphore, #tpu.memory_space<semaphore_mem>>) src(%arg9 : memref<100x128xf32, #tpu.memory_space<vmem>>) dst(%dma_wait3A_181 : memref<10000x128xf32, #tpu.memory_space<vmem_shared>>)
          tpu.yield
        }) : () -> ()
      } else {
      }
    }
    %scan3A_92 = arith.constant 9 : i32
    %run_scoped3A_93 = arith.constant 0 : i32
    %run_scoped3A_94 = arith.constant 3 : i32
    "tpu.region"() ({
      %run_scoped3A_122 = tpu.sem_alloc : memref<!tpu.dma_semaphore, #tpu.memory_space<semaphore_mem>>
      %dma_start3A_123 = arith.constant 0 : i32
      %dma_start3A_124 = arith.constant 0 : i32
      %dma_start3A_125 = tpu.memref_slice %arg3[%run_scoped3A_93, %add3A, %run_scoped3A_94, %dma_start3A_123, %dma_start3A_124] : memref<2x32x4x25x100xi32, #tpu.memory_space<hbm>> -> memref<1x1x1x25x100xi32, #tpu.memory_space<hbm>>
      %dma_start3A_126 = tpu.memref_squeeze %dma_start3A_125 : memref<1x1x1x25x100xi32, #tpu.memory_space<hbm>> -> memref<25x100xi32, #tpu.memory_space<hbm>>
      %dma_start3A_127 = arith.constant 0 : i32
      %dma_start3A_128 = arith.constant 0 : i32
      %dma_start3A_129 = tpu.memref_slice %arg3[%run_scoped3A_93, %add3A, %run_scoped3A_94, %dma_start3A_127, %dma_start3A_128] : memref<2x32x4x25x100xi32, #tpu.memory_space<hbm>> -> memref<1x1x1x25x100xi32, #tpu.memory_space<hbm>>
      %dma_start3A_130 = tpu.memref_squeeze %dma_start3A_129 : memref<1x1x1x25x100xi32, #tpu.memory_space<hbm>> -> memref<25x100xi32, #tpu.memory_space<hbm>>
      tpu.enqueue_dma source(%dma_start3A_130 : memref<25x100xi32, #tpu.memory_space<hbm>>) target(%arg5 : memref<25x100xi32, #tpu.memory_space<vmem>>) target_semaphore(%run_scoped3A_122 : memref<!tpu.dma_semaphore, #tpu.memory_space<semaphore_mem>>)
      %dma_wait3A = arith.constant 0 : i32
      %dma_wait3A_131 = arith.constant 0 : i32
      %dma_wait3A_132 = tpu.memref_slice %arg3[%run_scoped3A_93, %add3A, %run_scoped3A_94, %dma_wait3A, %dma_wait3A_131] : memref<2x32x4x25x100xi32, #tpu.memory_space<hbm>> -> memref<1x1x1x25x100xi32, #tpu.memory_space<hbm>>
      %dma_wait3A_133 = tpu.memref_squeeze %dma_wait3A_132 : memref<1x1x1x25x100xi32, #tpu.memory_space<hbm>> -> memref<25x100xi32, #tpu.memory_space<hbm>>
      %dma_wait3A_134 = arith.constant 0 : i32
      %dma_wait3A_135 = arith.constant 0 : i32
      %dma_wait3A_136 = tpu.memref_slice %arg3[%run_scoped3A_93, %add3A, %run_scoped3A_94, %dma_wait3A_134, %dma_wait3A_135] : memref<2x32x4x25x100xi32, #tpu.memory_space<hbm>> -> memref<1x1x1x25x100xi32, #tpu.memory_space<hbm>>
      %dma_wait3A_137 = tpu.memref_squeeze %dma_wait3A_136 : memref<1x1x1x25x100xi32, #tpu.memory_space<hbm>> -> memref<25x100xi32, #tpu.memory_space<hbm>>
      tpu.wait_dma2 semaphore(%run_scoped3A_122 : memref<!tpu.dma_semaphore, #tpu.memory_space<semaphore_mem>>) src(%dma_wait3A_137 : memref<25x100xi32, #tpu.memory_space<hbm>>) dst(%arg5 : memref<25x100xi32, #tpu.memory_space<vmem>>)
      tpu.yield
    }) : () -> ()
    %run_scoped3A_95 = arith.constant 1 : i32
    %run_scoped3A_96 = arith.constant 3 : i32
    "tpu.region"() ({
      %run_scoped3A_122 = tpu.sem_alloc : memref<!tpu.dma_semaphore, #tpu.memory_space<semaphore_mem>>
      %dma_start3A_123 = arith.constant 0 : i32
      %dma_start3A_124 = arith.constant 0 : i32
      %dma_start3A_125 = tpu.memref_slice %arg3[%run_scoped3A_95, %add3A, %run_scoped3A_96, %dma_start3A_123, %dma_start3A_124] : memref<2x32x4x25x100xi32, #tpu.memory_space<hbm>> -> memref<1x1x1x25x100xi32, #tpu.memory_space<hbm>>
      %dma_start3A_126 = tpu.memref_squeeze %dma_start3A_125 : memref<1x1x1x25x100xi32, #tpu.memory_space<hbm>> -> memref<25x100xi32, #tpu.memory_space<hbm>>
      %dma_start3A_127 = arith.constant 0 : i32
      %dma_start3A_128 = arith.constant 0 : i32
      %dma_start3A_129 = tpu.memref_slice %arg3[%run_scoped3A_95, %add3A, %run_scoped3A_96, %dma_start3A_127, %dma_start3A_128] : memref<2x32x4x25x100xi32, #tpu.memory_space<hbm>> -> memref<1x1x1x25x100xi32, #tpu.memory_space<hbm>>
      %dma_start3A_130 = tpu.memref_squeeze %dma_start3A_129 : memref<1x1x1x25x100xi32, #tpu.memory_space<hbm>> -> memref<25x100xi32, #tpu.memory_space<hbm>>
      tpu.enqueue_dma source(%dma_start3A_130 : memref<25x100xi32, #tpu.memory_space<hbm>>) target(%arg6 : memref<25x100xi32, #tpu.memory_space<vmem>>) target_semaphore(%run_scoped3A_122 : memref<!tpu.dma_semaphore, #tpu.memory_space<semaphore_mem>>)
      %dma_wait3A = arith.constant 0 : i32
      %dma_wait3A_131 = arith.constant 0 : i32
      %dma_wait3A_132 = tpu.memref_slice %arg3[%run_scoped3A_95, %add3A, %run_scoped3A_96, %dma_wait3A, %dma_wait3A_131] : memref<2x32x4x25x100xi32, #tpu.memory_space<hbm>> -> memref<1x1x1x25x100xi32, #tpu.memory_space<hbm>>
      %dma_wait3A_133 = tpu.memref_squeeze %dma_wait3A_132 : memref<1x1x1x25x100xi32, #tpu.memory_space<hbm>> -> memref<25x100xi32, #tpu.memory_space<hbm>>
      %dma_wait3A_134 = arith.constant 0 : i32
      %dma_wait3A_135 = arith.constant 0 : i32
      %dma_wait3A_136 = tpu.memref_slice %arg3[%run_scoped3A_95, %add3A, %run_scoped3A_96, %dma_wait3A_134, %dma_wait3A_135] : memref<2x32x4x25x100xi32, #tpu.memory_space<hbm>> -> memref<1x1x1x25x100xi32, #tpu.memory_space<hbm>>
      %dma_wait3A_137 = tpu.memref_squeeze %dma_wait3A_136 : memref<1x1x1x25x100xi32, #tpu.memory_space<hbm>> -> memref<25x100xi32, #tpu.memory_space<hbm>>
      tpu.wait_dma2 semaphore(%run_scoped3A_122 : memref<!tpu.dma_semaphore, #tpu.memory_space<semaphore_mem>>) src(%dma_wait3A_137 : memref<25x100xi32, #tpu.memory_space<hbm>>) dst(%arg6 : memref<25x100xi32, #tpu.memory_space<vmem>>)
      tpu.yield
    }) : () -> ()
    %dma_start3A_97 = arith.constant 0 : i32
    %dma_start3A_98 = arith.constant 0 : i32
    %dma_start3A_99 = tpu.memref_slice %arg5[%dma_start3A_97, %dma_start3A_98] : memref<25x100xi32, #tpu.memory_space<vmem>> -> memref<1x100xi32, #tpu.memory_space<vmem>>
    %dma_start3A_100 = tpu.memref_squeeze %dma_start3A_99 : memref<1x100xi32, #tpu.memory_space<vmem>> -> memref<100xi32, #tpu.memory_space<vmem>>
    %dma_start3A_101 = arith.constant 0 : i32
    %dma_start3A_102 = arith.constant 0 : i32
    %dma_start3A_103 = tpu.memref_slice %arg2[%dma_start3A_101, %dma_start3A_102] : memref<10000x128xf32, #tpu.memory_space<hbm>> -> memref<10000x128xf32, #tpu.memory_space<hbm>>
    tpu.enqueue_indirect_dma source(%dma_start3A_103 : memref<10000x128xf32, #tpu.memory_space<hbm>>) target(%arg7 : memref<100x128xf32, #tpu.memory_space<vmem>>) offsets(%dma_start3A_100 : memref<100xi32, #tpu.memory_space<vmem>>) semaphore(%arg11 : memref<!tpu.dma_semaphore, #tpu.memory_space<semaphore_mem>>)
    %dma_start3A_104 = arith.constant 1 : i32
    %dma_start3A_105 = arith.constant 0 : i32
    %dma_start3A_106 = tpu.memref_slice %arg5[%dma_start3A_104, %dma_start3A_105] : memref<25x100xi32, #tpu.memory_space<vmem>> -> memref<1x100xi32, #tpu.memory_space<vmem>>
    %dma_start3A_107 = tpu.memref_squeeze %dma_start3A_106 : memref<1x100xi32, #tpu.memory_space<vmem>> -> memref<100xi32, #tpu.memory_space<vmem>>
    %dma_start3A_108 = arith.constant 0 : i32
    %dma_start3A_109 = arith.constant 0 : i32
    %dma_start3A_110 = tpu.memref_slice %arg2[%dma_start3A_108, %dma_start3A_109] : memref<10000x128xf32, #tpu.memory_space<hbm>> -> memref<10000x128xf32, #tpu.memory_space<hbm>>
    tpu.enqueue_indirect_dma source(%dma_start3A_110 : memref<10000x128xf32, #tpu.memory_space<hbm>>) target(%arg8 : memref<100x128xf32, #tpu.memory_space<vmem>>) offsets(%dma_start3A_107 : memref<100xi32, #tpu.memory_space<vmem>>) semaphore(%arg12 : memref<!tpu.dma_semaphore, #tpu.memory_space<semaphore_mem>>)
    %scan3A_111 = arith.constant 0 : i32
    %scan3A_112 = arith.constant 9 : i32
    %scan3A_113 = arith.addi %scan3A_111, %scan3A_112 : i32
    %scan3A_114 = arith.constant 1 : i32
    scf.for %scan3A_122 = %scan3A_111 to %scan3A_113 step %scan3A_114  : i32 {
      %mul3A_123 = arith.constant 3 : i32
      %mul3A_124 = arith.muli %scan3A_122, %mul3A_123 : i32
      %add3A_125 = arith.constant 0 : i32
      %add3A_126 = arith.addi %add3A_125, %mul3A_124 : i32
      %dma_wait3A = arith.constant 0 : i32
      %dma_wait3A_127 = tpu.memref_slice %arg5[%add3A_126, %dma_wait3A] : memref<25x100xi32, #tpu.memory_space<vmem>> -> memref<1x100xi32, #tpu.memory_space<vmem>>
      %dma_wait3A_128 = tpu.memref_squeeze %dma_wait3A_127 : memref<1x100xi32, #tpu.memory_space<vmem>> -> memref<100xi32, #tpu.memory_space<vmem>>
      %dma_wait3A_129 = arith.constant 0 : i32
      %dma_wait3A_130 = arith.constant 0 : i32
      %dma_wait3A_131 = tpu.memref_slice %arg2[%dma_wait3A_129, %dma_wait3A_130] : memref<10000x128xf32, #tpu.memory_space<hbm>> -> memref<10000x128xf32, #tpu.memory_space<hbm>>
      tpu.wait_indirect_dma semaphore(%arg11 : memref<!tpu.dma_semaphore, #tpu.memory_space<semaphore_mem>>) src(%dma_wait3A_131 : memref<10000x128xf32, #tpu.memory_space<hbm>>) dst(%arg7 : memref<100x128xf32, #tpu.memory_space<vmem>>)
      %add3A_132 = arith.constant 2 : i32
      %add3A_133 = arith.addi %add3A_126, %add3A_132 : i32
      %lt3A = arith.constant 25 : i32
      %lt3A_134 = arith.cmpi slt, %add3A_133, %lt3A : i32
      %convert_element_type3A_135 = arith.extui %lt3A_134 : i1 to i32
      %cond3A_136 = arith.constant 0 : i32
      %cond3A_137 = arith.cmpi ne, %convert_element_type3A_135, %cond3A_136 : i32
      scf.if %cond3A_137 {
        %add3A_152 = arith.constant 2 : i32
        %add3A_153 = arith.addi %add3A_126, %add3A_152 : i32
        %dma_start3A_154 = arith.constant 0 : i32
        %dma_start3A_155 = tpu.memref_slice %arg5[%add3A_153, %dma_start3A_154] : memref<25x100xi32, #tpu.memory_space<vmem>> -> memref<1x100xi32, #tpu.memory_space<vmem>>
        %dma_start3A_156 = tpu.memref_squeeze %dma_start3A_155 : memref<1x100xi32, #tpu.memory_space<vmem>> -> memref<100xi32, #tpu.memory_space<vmem>>
        %dma_start3A_157 = arith.constant 0 : i32
        %dma_start3A_158 = arith.constant 0 : i32
        %dma_start3A_159 = tpu.memref_slice %arg2[%dma_start3A_157, %dma_start3A_158] : memref<10000x128xf32, #tpu.memory_space<hbm>> -> memref<10000x128xf32, #tpu.memory_space<hbm>>
        tpu.enqueue_indirect_dma source(%dma_start3A_159 : memref<10000x128xf32, #tpu.memory_space<hbm>>) target(%arg9 : memref<100x128xf32, #tpu.memory_space<vmem>>) offsets(%dma_start3A_156 : memref<100xi32, #tpu.memory_space<vmem>>) semaphore(%arg13 : memref<!tpu.dma_semaphore, #tpu.memory_space<semaphore_mem>>)
      } else {
      }
      "tpu.region"() ({
        %run_scoped3A_152 = tpu.sem_alloc : memref<!tpu.dma_semaphore, #tpu.memory_space<semaphore_mem>>
        %dma_start3A_153 = arith.constant 0 : i32
        %dma_start3A_154 = tpu.memref_slice %arg6[%add3A_126, %dma_start3A_153] : memref<25x100xi32, #tpu.memory_space<vmem>> -> memref<1x100xi32, #tpu.memory_space<vmem>>
        %dma_start3A_155 = tpu.memref_squeeze %dma_start3A_154 : memref<1x100xi32, #tpu.memory_space<vmem>> -> memref<100xi32, #tpu.memory_space<vmem>>
        %dma_start3A_156 = arith.constant 0 : i32
        %dma_start3A_157 = arith.constant 0 : i32
        %dma_start3A_158 = tpu.memref_slice %arg10[%dma_start3A_156, %dma_start3A_157] : memref<10000x128xf32, #tpu.memory_space<vmem_shared>> -> memref<10000x128xf32, #tpu.memory_space<vmem_shared>>
        tpu.enqueue_indirect_dma source(%arg7 : memref<100x128xf32, #tpu.memory_space<vmem>>) target(%dma_start3A_158 : memref<10000x128xf32, #tpu.memory_space<vmem_shared>>) offsets(%dma_start3A_155 : memref<100xi32, #tpu.memory_space<vmem>>) semaphore(%run_scoped3A_152 : memref<!tpu.dma_semaphore, #tpu.memory_space<semaphore_mem>>) {add = true}
        %dma_wait3A_159 = arith.constant 0 : i32
        %dma_wait3A_160 = tpu.memref_slice %arg6[%add3A_126, %dma_wait3A_159] : memref<25x100xi32, #tpu.memory_space<vmem>> -> memref<1x100xi32, #tpu.memory_space<vmem>>
        %dma_wait3A_161 = tpu.memref_squeeze %dma_wait3A_160 : memref<1x100xi32, #tpu.memory_space<vmem>> -> memref<100xi32, #tpu.memory_space<vmem>>
        %dma_wait3A_162 = arith.constant 0 : i32
        %dma_wait3A_163 = arith.constant 0 : i32
        %dma_wait3A_164 = tpu.memref_slice %arg10[%dma_wait3A_162, %dma_wait3A_163] : memref<10000x128xf32, #tpu.memory_space<vmem_shared>> -> memref<10000x128xf32, #tpu.memory_space<vmem_shared>>
        tpu.wait_indirect_dma semaphore(%run_scoped3A_152 : memref<!tpu.dma_semaphore, #tpu.memory_space<semaphore_mem>>) src(%arg7 : memref<100x128xf32, #tpu.memory_space<vmem>>) dst(%dma_wait3A_164 : memref<10000x128xf32, #tpu.memory_space<vmem_shared>>)
        tpu.yield
      }) : () -> ()
      %add3A_138 = arith.constant 1 : i32
      %add3A_139 = arith.addi %add3A_126, %add3A_138 : i32
      %lt3A_140 = arith.constant 25 : i32
      %lt3A_141 = arith.cmpi slt, %add3A_139, %lt3A_140 : i32
      %convert_element_type3A_142 = arith.extui %lt3A_141 : i1 to i32
      %cond3A_143 = arith.constant 0 : i32
      %cond3A_144 = arith.cmpi ne, %convert_element_type3A_142, %cond3A_143 : i32
      scf.if %cond3A_144 {
        %add3A_152 = arith.constant 1 : i32
        %add3A_153 = arith.addi %add3A_126, %add3A_152 : i32
        %dma_wait3A_154 = arith.constant 0 : i32
        %dma_wait3A_155 = tpu.memref_slice %arg5[%add3A_153, %dma_wait3A_154] : memref<25x100xi32, #tpu.memory_space<vmem>> -> memref<1x100xi32, #tpu.memory_space<vmem>>
        %dma_wait3A_156 = tpu.memref_squeeze %dma_wait3A_155 : memref<1x100xi32, #tpu.memory_space<vmem>> -> memref<100xi32, #tpu.memory_space<vmem>>
        %dma_wait3A_157 = arith.constant 0 : i32
        %dma_wait3A_158 = arith.constant 0 : i32
        %dma_wait3A_159 = tpu.memref_slice %arg2[%dma_wait3A_157, %dma_wait3A_158] : memref<10000x128xf32, #tpu.memory_space<hbm>> -> memref<10000x128xf32, #tpu.memory_space<hbm>>
        tpu.wait_indirect_dma semaphore(%arg12 : memref<!tpu.dma_semaphore, #tpu.memory_space<semaphore_mem>>) src(%dma_wait3A_159 : memref<10000x128xf32, #tpu.memory_space<hbm>>) dst(%arg8 : memref<100x128xf32, #tpu.memory_space<vmem>>)
        %add3A_160 = arith.constant 3 : i32
        %add3A_161 = arith.addi %add3A_126, %add3A_160 : i32
        %lt3A_162 = arith.constant 25 : i32
        %lt3A_163 = arith.cmpi slt, %add3A_161, %lt3A_162 : i32
        %convert_element_type3A_164 = arith.extui %lt3A_163 : i1 to i32
        %cond3A_165 = arith.constant 0 : i32
        %cond3A_166 = arith.cmpi ne, %convert_element_type3A_164, %cond3A_165 : i32
        scf.if %cond3A_166 {
          %add3A_169 = arith.constant 3 : i32
          %add3A_170 = arith.addi %add3A_126, %add3A_169 : i32
          %dma_start3A_171 = arith.constant 0 : i32
          %dma_start3A_172 = tpu.memref_slice %arg5[%add3A_170, %dma_start3A_171] : memref<25x100xi32, #tpu.memory_space<vmem>> -> memref<1x100xi32, #tpu.memory_space<vmem>>
          %dma_start3A_173 = tpu.memref_squeeze %dma_start3A_172 : memref<1x100xi32, #tpu.memory_space<vmem>> -> memref<100xi32, #tpu.memory_space<vmem>>
          %dma_start3A_174 = arith.constant 0 : i32
          %dma_start3A_175 = arith.constant 0 : i32
          %dma_start3A_176 = tpu.memref_slice %arg2[%dma_start3A_174, %dma_start3A_175] : memref<10000x128xf32, #tpu.memory_space<hbm>> -> memref<10000x128xf32, #tpu.memory_space<hbm>>
          tpu.enqueue_indirect_dma source(%dma_start3A_176 : memref<10000x128xf32, #tpu.memory_space<hbm>>) target(%arg7 : memref<100x128xf32, #tpu.memory_space<vmem>>) offsets(%dma_start3A_173 : memref<100xi32, #tpu.memory_space<vmem>>) semaphore(%arg11 : memref<!tpu.dma_semaphore, #tpu.memory_space<semaphore_mem>>)
        } else {
        }
        %add3A_167 = arith.constant 1 : i32
        %add3A_168 = arith.addi %add3A_126, %add3A_167 : i32
        "tpu.region"() ({
          %run_scoped3A_169 = tpu.sem_alloc : memref<!tpu.dma_semaphore, #tpu.memory_space<semaphore_mem>>
          %dma_start3A_170 = arith.constant 0 : i32
          %dma_start3A_171 = tpu.memref_slice %arg6[%add3A_168, %dma_start3A_170] : memref<25x100xi32, #tpu.memory_space<vmem>> -> memref<1x100xi32, #tpu.memory_space<vmem>>
          %dma_start3A_172 = tpu.memref_squeeze %dma_start3A_171 : memref<1x100xi32, #tpu.memory_space<vmem>> -> memref<100xi32, #tpu.memory_space<vmem>>
          %dma_start3A_173 = arith.constant 0 : i32
          %dma_start3A_174 = arith.constant 0 : i32
          %dma_start3A_175 = tpu.memref_slice %arg10[%dma_start3A_173, %dma_start3A_174] : memref<10000x128xf32, #tpu.memory_space<vmem_shared>> -> memref<10000x128xf32, #tpu.memory_space<vmem_shared>>
          tpu.enqueue_indirect_dma source(%arg8 : memref<100x128xf32, #tpu.memory_space<vmem>>) target(%dma_start3A_175 : memref<10000x128xf32, #tpu.memory_space<vmem_shared>>) offsets(%dma_start3A_172 : memref<100xi32, #tpu.memory_space<vmem>>) semaphore(%run_scoped3A_169 : memref<!tpu.dma_semaphore, #tpu.memory_space<semaphore_mem>>) {add = true}
          %dma_wait3A_176 = arith.constant 0 : i32
          %dma_wait3A_177 = tpu.memref_slice %arg6[%add3A_168, %dma_wait3A_176] : memref<25x100xi32, #tpu.memory_space<vmem>> -> memref<1x100xi32, #tpu.memory_space<vmem>>
          %dma_wait3A_178 = tpu.memref_squeeze %dma_wait3A_177 : memref<1x100xi32, #tpu.memory_space<vmem>> -> memref<100xi32, #tpu.memory_space<vmem>>
          %dma_wait3A_179 = arith.constant 0 : i32
          %dma_wait3A_180 = arith.constant 0 : i32
          %dma_wait3A_181 = tpu.memref_slice %arg10[%dma_wait3A_179, %dma_wait3A_180] : memref<10000x128xf32, #tpu.memory_space<vmem_shared>> -> memref<10000x128xf32, #tpu.memory_space<vmem_shared>>
          tpu.wait_indirect_dma semaphore(%run_scoped3A_169 : memref<!tpu.dma_semaphore, #tpu.memory_space<semaphore_mem>>) src(%arg8 : memref<100x128xf32, #tpu.memory_space<vmem>>) dst(%dma_wait3A_181 : memref<10000x128xf32, #tpu.memory_space<vmem_shared>>)
          tpu.yield
        }) : () -> ()
      } else {
      }
      %add3A_145 = arith.constant 2 : i32
      %add3A_146 = arith.addi %add3A_126, %add3A_145 : i32
      %lt3A_147 = arith.constant 25 : i32
      %lt3A_148 = arith.cmpi slt, %add3A_146, %lt3A_147 : i32
      %convert_element_type3A_149 = arith.extui %lt3A_148 : i1 to i32
      %cond3A_150 = arith.constant 0 : i32
      %cond3A_151 = arith.cmpi ne, %convert_element_type3A_149, %cond3A_150 : i32
      scf.if %cond3A_151 {
        %add3A_152 = arith.constant 2 : i32
        %add3A_153 = arith.addi %add3A_126, %add3A_152 : i32
        %dma_wait3A_154 = arith.constant 0 : i32
        %dma_wait3A_155 = tpu.memref_slice %arg5[%add3A_153, %dma_wait3A_154] : memref<25x100xi32, #tpu.memory_space<vmem>> -> memref<1x100xi32, #tpu.memory_space<vmem>>
        %dma_wait3A_156 = tpu.memref_squeeze %dma_wait3A_155 : memref<1x100xi32, #tpu.memory_space<vmem>> -> memref<100xi32, #tpu.memory_space<vmem>>
        %dma_wait3A_157 = arith.constant 0 : i32
        %dma_wait3A_158 = arith.constant 0 : i32
        %dma_wait3A_159 = tpu.memref_slice %arg2[%dma_wait3A_157, %dma_wait3A_158] : memref<10000x128xf32, #tpu.memory_space<hbm>> -> memref<10000x128xf32, #tpu.memory_space<hbm>>
        tpu.wait_indirect_dma semaphore(%arg13 : memref<!tpu.dma_semaphore, #tpu.memory_space<semaphore_mem>>) src(%dma_wait3A_159 : memref<10000x128xf32, #tpu.memory_space<hbm>>) dst(%arg9 : memref<100x128xf32, #tpu.memory_space<vmem>>)
        %add3A_160 = arith.constant 4 : i32
        %add3A_161 = arith.addi %add3A_126, %add3A_160 : i32
        %lt3A_162 = arith.constant 25 : i32
        %lt3A_163 = arith.cmpi slt, %add3A_161, %lt3A_162 : i32
        %convert_element_type3A_164 = arith.extui %lt3A_163 : i1 to i32
        %cond3A_165 = arith.constant 0 : i32
        %cond3A_166 = arith.cmpi ne, %convert_element_type3A_164, %cond3A_165 : i32
        scf.if %cond3A_166 {
          %add3A_169 = arith.constant 4 : i32
          %add3A_170 = arith.addi %add3A_126, %add3A_169 : i32
          %dma_start3A_171 = arith.constant 0 : i32
          %dma_start3A_172 = tpu.memref_slice %arg5[%add3A_170, %dma_start3A_171] : memref<25x100xi32, #tpu.memory_space<vmem>> -> memref<1x100xi32, #tpu.memory_space<vmem>>
          %dma_start3A_173 = tpu.memref_squeeze %dma_start3A_172 : memref<1x100xi32, #tpu.memory_space<vmem>> -> memref<100xi32, #tpu.memory_space<vmem>>
          %dma_start3A_174 = arith.constant 0 : i32
          %dma_start3A_175 = arith.constant 0 : i32
          %dma_start3A_176 = tpu.memref_slice %arg2[%dma_start3A_174, %dma_start3A_175] : memref<10000x128xf32, #tpu.memory_space<hbm>> -> memref<10000x128xf32, #tpu.memory_space<hbm>>
          tpu.enqueue_indirect_dma source(%dma_start3A_176 : memref<10000x128xf32, #tpu.memory_space<hbm>>) target(%arg8 : memref<100x128xf32, #tpu.memory_space<vmem>>) offsets(%dma_start3A_173 : memref<100xi32, #tpu.memory_space<vmem>>) semaphore(%arg12 : memref<!tpu.dma_semaphore, #tpu.memory_space<semaphore_mem>>)
        } else {
        }
        %add3A_167 = arith.constant 2 : i32
        %add3A_168 = arith.addi %add3A_126, %add3A_167 : i32
        "tpu.region"() ({
          %run_scoped3A_169 = tpu.sem_alloc : memref<!tpu.dma_semaphore, #tpu.memory_space<semaphore_mem>>
          %dma_start3A_170 = arith.constant 0 : i32
          %dma_start3A_171 = tpu.memref_slice %arg6[%add3A_168, %dma_start3A_170] : memref<25x100xi32, #tpu.memory_space<vmem>> -> memref<1x100xi32, #tpu.memory_space<vmem>>
          %dma_start3A_172 = tpu.memref_squeeze %dma_start3A_171 : memref<1x100xi32, #tpu.memory_space<vmem>> -> memref<100xi32, #tpu.memory_space<vmem>>
          %dma_start3A_173 = arith.constant 0 : i32
          %dma_start3A_174 = arith.constant 0 : i32
          %dma_start3A_175 = tpu.memref_slice %arg10[%dma_start3A_173, %dma_start3A_174] : memref<10000x128xf32, #tpu.memory_space<vmem_shared>> -> memref<10000x128xf32, #tpu.memory_space<vmem_shared>>
          tpu.enqueue_indirect_dma source(%arg9 : memref<100x128xf32, #tpu.memory_space<vmem>>) target(%dma_start3A_175 : memref<10000x128xf32, #tpu.memory_space<vmem_shared>>) offsets(%dma_start3A_172 : memref<100xi32, #tpu.memory_space<vmem>>) semaphore(%run_scoped3A_169 : memref<!tpu.dma_semaphore, #tpu.memory_space<semaphore_mem>>) {add = true}
          %dma_wait3A_176 = arith.constant 0 : i32
          %dma_wait3A_177 = tpu.memref_slice %arg6[%add3A_168, %dma_wait3A_176] : memref<25x100xi32, #tpu.memory_space<vmem>> -> memref<1x100xi32, #tpu.memory_space<vmem>>
          %dma_wait3A_178 = tpu.memref_squeeze %dma_wait3A_177 : memref<1x100xi32, #tpu.memory_space<vmem>> -> memref<100xi32, #tpu.memory_space<vmem>>
          %dma_wait3A_179 = arith.constant 0 : i32
          %dma_wait3A_180 = arith.constant 0 : i32
          %dma_wait3A_181 = tpu.memref_slice %arg10[%dma_wait3A_179, %dma_wait3A_180] : memref<10000x128xf32, #tpu.memory_space<vmem_shared>> -> memref<10000x128xf32, #tpu.memory_space<vmem_shared>>
          tpu.wait_indirect_dma semaphore(%run_scoped3A_169 : memref<!tpu.dma_semaphore, #tpu.memory_space<semaphore_mem>>) src(%arg9 : memref<100x128xf32, #tpu.memory_space<vmem>>) dst(%dma_wait3A_181 : memref<10000x128xf32, #tpu.memory_space<vmem_shared>>)
          tpu.yield
        }) : () -> ()
      } else {
      }
    }
    %scan3A_115 = arith.constant 9 : i32
    %barrier3A_116 = arith.constant 0 : index
    tpu.barrier barrier_id(%barrier3A_116)
    "tpu.region"() ({
      %run_scoped3A_122 = tpu.sem_alloc : memref<!tpu.dma_semaphore, #tpu.memory_space<semaphore_mem>>
      %dma_start3A_123 = arith.constant 0 : i32
      %dma_start3A_124 = tpu.memref_slice %arg4[%arg0, %mul3A_41, %dma_start3A_123] : memref<2x10000x128xf32, #tpu.memory_space<hbm>> -> memref<1x624x128xf32, #tpu.memory_space<hbm>>
      %dma_start3A_125 = tpu.memref_squeeze %dma_start3A_124 : memref<1x624x128xf32, #tpu.memory_space<hbm>> -> memref<624x128xf32, #tpu.memory_space<hbm>>
      %dma_start3A_126 = arith.constant 0 : i32
      %dma_start3A_127 = tpu.memref_slice %arg10[%mul3A_41, %dma_start3A_126] : memref<10000x128xf32, #tpu.memory_space<vmem_shared>> -> memref<624x128xf32, #tpu.memory_space<vmem_shared>>
      tpu.enqueue_dma source(%dma_start3A_127 : memref<624x128xf32, #tpu.memory_space<vmem_shared>>) target(%dma_start3A_125 : memref<624x128xf32, #tpu.memory_space<hbm>>) target_semaphore(%run_scoped3A_122 : memref<!tpu.dma_semaphore, #tpu.memory_space<semaphore_mem>>)
      %dma_wait3A = arith.constant 0 : i32
      %dma_wait3A_128 = tpu.memref_slice %arg4[%arg0, %mul3A_41, %dma_wait3A] : memref<2x10000x128xf32, #tpu.memory_space<hbm>> -> memref<1x624x128xf32, #tpu.memory_space<hbm>>
      %dma_wait3A_129 = tpu.memref_squeeze %dma_wait3A_128 : memref<1x624x128xf32, #tpu.memory_space<hbm>> -> memref<624x128xf32, #tpu.memory_space<hbm>>
      %dma_wait3A_130 = arith.constant 0 : i32
      %dma_wait3A_131 = tpu.memref_slice %arg10[%mul3A_41, %dma_wait3A_130] : memref<10000x128xf32, #tpu.memory_space<vmem_shared>> -> memref<624x128xf32, #tpu.memory_space<vmem_shared>>
      tpu.wait_dma2 semaphore(%run_scoped3A_122 : memref<!tpu.dma_semaphore, #tpu.memory_space<semaphore_mem>>) src(%dma_wait3A_131 : memref<624x128xf32, #tpu.memory_space<vmem_shared>>) dst(%dma_wait3A_129 : memref<624x128xf32, #tpu.memory_space<hbm>>)
      tpu.yield
    }) : () -> ()
    %eq3A_117 = arith.constant 0 : i32
    %eq3A_118 = arith.cmpi eq, %arg1, %eq3A_117 : i32
    %convert_element_type3A_119 = arith.extui %eq3A_118 : i1 to i32
    %cond3A_120 = arith.constant 0 : i32
    %cond3A_121 = arith.cmpi ne, %convert_element_type3A_119, %cond3A_120 : i32
    scf.if %cond3A_121 {
      "tpu.region"() ({
        %run_scoped3A_122 = tpu.sem_alloc : memref<!tpu.dma_semaphore, #tpu.memory_space<semaphore_mem>>
        %dma_start3A_123 = arith.constant 9984 : i32
        %dma_start3A_124 = arith.constant 0 : i32
        %dma_start3A_125 = tpu.memref_slice %arg4[%arg0, %dma_start3A_123, %dma_start3A_124] : memref<2x10000x128xf32, #tpu.memory_space<hbm>> -> memref<1x16x128xf32, #tpu.memory_space<hbm>>
        %dma_start3A_126 = tpu.memref_squeeze %dma_start3A_125 : memref<1x16x128xf32, #tpu.memory_space<hbm>> -> memref<16x128xf32, #tpu.memory_space<hbm>>
        %dma_start3A_127 = arith.constant 9984 : i32
        %dma_start3A_128 = arith.constant 0 : i32
        %dma_start3A_129 = tpu.memref_slice %arg10[%dma_start3A_127, %dma_start3A_128] : memref<10000x128xf32, #tpu.memory_space<vmem_shared>> -> memref<16x128xf32, #tpu.memory_space<vmem_shared>>
        tpu.enqueue_dma source(%dma_start3A_129 : memref<16x128xf32, #tpu.memory_space<vmem_shared>>) target(%dma_start3A_126 : memref<16x128xf32, #tpu.memory_space<hbm>>) target_semaphore(%run_scoped3A_122 : memref<!tpu.dma_semaphore, #tpu.memory_space<semaphore_mem>>)
        %dma_wait3A = arith.constant 9984 : i32
        %dma_wait3A_130 = arith.constant 0 : i32
        %dma_wait3A_131 = tpu.memref_slice %arg4[%arg0, %dma_wait3A, %dma_wait3A_130] : memref<2x10000x128xf32, #tpu.memory_space<hbm>> -> memref<1x16x128xf32, #tpu.memory_space<hbm>>
        %dma_wait3A_132 = tpu.memref_squeeze %dma_wait3A_131 : memref<1x16x128xf32, #tpu.memory_space<hbm>> -> memref<16x128xf32, #tpu.memory_space<hbm>>
        %dma_wait3A_133 = arith.constant 9984 : i32
        %dma_wait3A_134 = arith.constant 0 : i32
        %dma_wait3A_135 = tpu.memref_slice %arg10[%dma_wait3A_133, %dma_wait3A_134] : memref<10000x128xf32, #tpu.memory_space<vmem_shared>> -> memref<16x128xf32, #tpu.memory_space<vmem_shared>>
        tpu.wait_dma2 semaphore(%run_scoped3A_122 : memref<!tpu.dma_semaphore, #tpu.memory_space<semaphore_mem>>) src(%dma_wait3A_135 : memref<16x128xf32, #tpu.memory_space<vmem_shared>>) dst(%dma_wait3A_132 : memref<16x128xf32, #tpu.memory_space<hbm>>)
        tpu.yield
      }) : () -> ()
    } else {
    }
    return
  }
}

module attributes {stable_mosaic.version = 14 : i64} {
  func.func @body(%arg0: i32, %arg1: memref<5000x128xf32, #tpu.memory_space<vmem>>, %arg2: memref<2x5000x128xf32, #tpu.memory_space<vmem>>, %arg3: memref<128x128xf32, #tpu.memory_space<vmem>>, %arg4: memref<1x128xf32, #tpu.memory_space<vmem>>, %arg5: memref<128x128xf32, #tpu.memory_space<vmem>>, %arg6: memref<1x128xf32, #tpu.memory_space<vmem>>, %arg7: memref<1xf32, #tpu.memory_space<smem>>, %arg8: memref<5000x128xf32, #tpu.memory_space<vmem>>) attributes {dimension_semantics = [#tpu.dimension_semantics<arbitrary>], iteration_bounds = array<i64: 2>, scalar_prefetch = 0 : i64, scratch_operands = 0 : i64, tpu.core_type = #tpu.core_type<tc>, window_params = [{transform_indices = @transform_0, window_bounds = array<i64: 5000, 128>}, {transform_indices = @transform_1, window_bounds = array<i64: 2, 5000, 128>}, {pipeline_mode = #tpu.pipeline_mode<synchronous>, transform_indices = @transform_2, window_bounds = array<i64: 128, 128>}, {pipeline_mode = #tpu.pipeline_mode<synchronous>, transform_indices = @transform_3, window_bounds = array<i64: 1, 128>}, {pipeline_mode = #tpu.pipeline_mode<synchronous>, transform_indices = @transform_4, window_bounds = array<i64: 128, 128>}, {pipeline_mode = #tpu.pipeline_mode<synchronous>, transform_indices = @transform_5, window_bounds = array<i64: 1, 128>}, {transform_indices = @transform_6, window_bounds = array<i64: 1>}, {transform_indices = @transform_7, window_bounds = array<i64: 5000, 128>}]} {
    %get3A = arith.constant 0 : index
    %get3A_0 = arith.constant 0 : index
    %get3A_1 = vector.load %arg1[%get3A, %get3A_0] : memref<5000x128xf32, #tpu.memory_space<vmem>>, vector<5000x128xf32>
    %get3A_2 = arith.constant 0 : index
    %get3A_3 = arith.constant 0 : index
    %get3A_4 = arith.constant 0 : index
    %get3A_5 = vector.load %arg2[%get3A_2, %get3A_3, %get3A_4] : memref<2x5000x128xf32, #tpu.memory_space<vmem>>, vector<1x5000x128xf32>
    %get3A_6 = vector.shape_cast %get3A_5 : vector<1x5000x128xf32> to vector<5000x128xf32>
    %get3A_7 = arith.constant 1 : index
    %get3A_8 = arith.constant 0 : index
    %get3A_9 = arith.constant 0 : index
    %get3A_10 = vector.load %arg2[%get3A_7, %get3A_8, %get3A_9] : memref<2x5000x128xf32, #tpu.memory_space<vmem>>, vector<1x5000x128xf32>
    %get3A_11 = vector.shape_cast %get3A_10 : vector<1x5000x128xf32> to vector<5000x128xf32>
    %add3A = arith.addf %get3A_6, %get3A_11 : vector<5000x128xf32>
    %add3A_12 = arith.addf %add3A, %get3A_1 : vector<5000x128xf32>
    %get3A_13 = arith.constant 0 : index
    %get3A_14 = arith.constant 0 : index
    %get3A_15 = vector.load %arg3[%get3A_13, %get3A_14] : memref<128x128xf32, #tpu.memory_space<vmem>>, vector<128x128xf32>
    %dot_general3A = arith.constant dense<0.000000e+00> : vector<5000x128xf32>
    %dot_general3A_16 = tpu.matmul %add3A_12, %get3A_15, %dot_general3A {dimension_numbers = #tpu.dot_dimension_numbers<[1], [0], [0], [1], [0, 0, 1, 1], [], []>, transpose_lhs_hint = false} : vector<5000x128xf32>, vector<128x128xf32>, vector<5000x128xf32> -> vector<5000x128xf32>
    %get3A_17 = arith.constant 0 : index
    %get3A_18 = arith.constant 0 : index
    %get3A_19 = vector.load %arg4[%get3A_17, %get3A_18] : memref<1x128xf32, #tpu.memory_space<vmem>>, vector<1x128xf32>
    %add3A_20 = vector.broadcast %get3A_19 : vector<1x128xf32> to vector<5000x128xf32>
    %add3A_21 = arith.addf %dot_general3A_16, %add3A_20 : vector<5000x128xf32>
    %max3A = arith.constant 0.000000e+00 : f32
    %max3A_22 = vector.broadcast %max3A : f32 to vector<5000x128xf32>
    %max3A_23 = arith.maximumf %add3A_21, %max3A_22 : vector<5000x128xf32>
    %get3A_24 = arith.constant 0 : index
    %get3A_25 = arith.constant 0 : index
    %get3A_26 = vector.load %arg5[%get3A_24, %get3A_25] : memref<128x128xf32, #tpu.memory_space<vmem>>, vector<128x128xf32>
    %dot_general3A_27 = arith.constant dense<0.000000e+00> : vector<5000x128xf32>
    %dot_general3A_28 = tpu.matmul %max3A_23, %get3A_26, %dot_general3A_27 {dimension_numbers = #tpu.dot_dimension_numbers<[1], [0], [0], [1], [0, 0, 1, 1], [], []>, transpose_lhs_hint = false} : vector<5000x128xf32>, vector<128x128xf32>, vector<5000x128xf32> -> vector<5000x128xf32>
    %get3A_29 = arith.constant 0 : index
    %get3A_30 = arith.constant 0 : index
    %get3A_31 = vector.load %arg6[%get3A_29, %get3A_30] : memref<1x128xf32, #tpu.memory_space<vmem>>, vector<1x128xf32>
    %add3A_32 = vector.broadcast %get3A_31 : vector<1x128xf32> to vector<5000x128xf32>
    %add3A_33 = arith.addf %dot_general3A_28, %add3A_32 : vector<5000x128xf32>
    %max3A_34 = arith.constant 0.000000e+00 : f32
    %max3A_35 = vector.broadcast %max3A_34 : f32 to vector<5000x128xf32>
    %max3A_36 = arith.maximumf %add3A_33, %max3A_35 : vector<5000x128xf32>
    %get3A_37 = arith.constant 0 : index
    %get3A_38 = memref.load %arg7[%get3A_37] : memref<1xf32, #tpu.memory_space<smem>>
    %mul3A = vector.broadcast %get3A_38 : f32 to vector<5000x128xf32>
    %mul3A_39 = arith.mulf %mul3A, %get3A_1 : vector<5000x128xf32>
    %add3A_40 = arith.addf %max3A_36, %mul3A_39 : vector<5000x128xf32>
    %swap3A = arith.constant 0 : index
    %swap3A_41 = arith.constant 0 : index
    %swap3A_42 = vector.load %arg8[%swap3A, %swap3A_41] : memref<5000x128xf32, #tpu.memory_space<vmem>>, vector<5000x128xf32>
    tpu.vector_store %arg8[%swap3A, %swap3A_41], %add3A_40 {strides = array<i32>} : memref<5000x128xf32, #tpu.memory_space<vmem>>, vector<5000x128xf32>,
    return
  }
  func.func @transform_0(%arg0: i32) -> (i32, i32) {
    %c0_i32 = arith.constant 0 : i32
    %c0_i32_0 = arith.constant 0 : i32
    return %arg0, %c0_i32 : i32, i32
  }
  func.func @transform_1(%arg0: i32) -> (i32, i32, i32) {
    %c0_i32 = arith.constant 0 : i32
    %c0_i32_0 = arith.constant 0 : i32
    %c0_i32_1 = arith.constant 0 : i32
    return %c0_i32, %arg0, %c0_i32_0 : i32, i32, i32
  }
  func.func @transform_2(%arg0: i32) -> (i32, i32) {
    %c0_i32 = arith.constant 0 : i32
    %c0_i32_0 = arith.constant 0 : i32
    %c0_i32_1 = arith.constant 0 : i32
    return %c0_i32, %c0_i32_0 : i32, i32
  }
  func.func @transform_3(%arg0: i32) -> (i32, i32) {
    %c0_i32 = arith.constant 0 : i32
    %c0_i32_0 = arith.constant 0 : i32
    %c0_i32_1 = arith.constant 0 : i32
    return %c0_i32, %c0_i32_0 : i32, i32
  }
  func.func @transform_4(%arg0: i32) -> (i32, i32) {
    %c0_i32 = arith.constant 0 : i32
    %c0_i32_0 = arith.constant 0 : i32
    %c0_i32_1 = arith.constant 0 : i32
    return %c0_i32, %c0_i32_0 : i32, i32
  }
  func.func @transform_5(%arg0: i32) -> (i32, i32) {
    %c0_i32 = arith.constant 0 : i32
    %c0_i32_0 = arith.constant 0 : i32
    %c0_i32_1 = arith.constant 0 : i32
    return %c0_i32, %c0_i32_0 : i32, i32
  }
  func.func @transform_6(%arg0: i32) -> i32 {
    %c0_i32 = arith.constant 0 : i32
    %c0_i32_0 = arith.constant 0 : i32
    return %c0_i32 : i32
  }
  func.func @transform_7(%arg0: i32) -> (i32, i32) {
    %c0_i32 = arith.constant 0 : i32
    %c0_i32_0 = arith.constant 0 : i32
    return %arg0, %c0_i32 : i32, i32
  }
}

</mosaic_0001>

<sc_bundles>
// kernel: kernel.4.cloned.1.call-start
scs
__scs_entry_jumppad:
0x0: {  	(pc) =	sbr.rel $0x88, $3  }
0x1: {  	(tag) =	ssettag $0x0;
	lr =	simm.s32 $0x1  }
0x2: {  	[smem:$0x3F9A] =	sst lr;
	_ =	strace $0xD0000000  }
0x3: {  	_ = 	snop  }
0x4: {  	_ = 	snop  }
0x5: {  	_ = 	snop  }
0x6: {  	_ = 	snop  }
0x7: {  	_ = 	snop  }
__scs_overlays_trampoline_lowered:
0x8: {  	[smem:$0x3FA9] =	sst s0  }
0x9: {  	[smem:$0x3FAA] =	sst s1  }
0xa: {  	[smem:$0x3FAB] =	sst s2  }
0xb: {  	[smem:$0x3FAC] =	sst s3  }
0xc: {  	[smem:$0x3FAD] =	sst s4  }
0xd: {  	[smem:$0x3FAE] =	sst s5  }
0xe: {  	[smem:$0x3FAF] =	sst s6  }
0xf: {  	[smem:$0x3FB0] =	sst s7  }
0x10: {  	[smem:$0x3FB1] =	sst s8  }
0x11: {  	[smem:$0x3FB2] =	sst s9;
	s0 =	simm.s32 @!p0 $0x0  }
0x12: {  	s1 =	sld [smem:$0x3F98];
	s0 =	simm.s32 @p0 $0x1  }
0x13: {  	[smem:$0x3FB3] =	sst s0;
	s0 =	simm.s32 @!p1 $0x0  }
0x14: {  	s2 =	sld [smem:$0x3F97];
	s0 =	simm.s32 @p1 $0x1  }
0x15: {  	[smem:$0x3FB4] =	sst s0;
	s0 =	simm.s32 @!p2 $0x0  }
0x16: {  	s3 =	sld [smem:$0x3FDB];
	s0 =	simm.s32 @p2 $0x1  }
0x17: {  	s4 =	simm.s32 $0x1BF5;
	[smem:$0x3FB6] =	sst s0  }
0x18: {  	s0 =	sld [smem:$0x3F99];
	_ =	swait.ge [sflag:s4], $0x0  }
0x19: {  	s7 =	sld [smem:$0x3F9A]  }
0x1a: {  	s8 =	sadd.s32 $0xFFFFE003, lr  }
0x1b: {  	s9 =	sadd.s32 $0xFFFFFEF7, lr;
	s5 =	simm.s32 $0xFFFFFFFF;
	p2 =	slt.u32 s8, $0xFFFFF086  }
0x1c: {  	p1 =	slt.u32 s9, $0xF7A;
	s5 =	simm.s32 @!p2 $0x0  }
0x1d: {  	s5 =	simm.s32 @p1 $0x1;
	p0 =	seq.s32 s7, s2  }
0x1e: {  	s7 =	smul.u32 @!p0 $0xF7A, s2;
	p2 =	seq.s32 @!p0 s5, $0x0  }
0x1f: {  	s9 =	smul.u32 $0xF7A, s1;
	s8 =	simm.s32 @!p0 $0x1BF5;
	p2 =	por !p2, p0  }
0x20: {  	[sflag:s8] =	ssyncset.s32 @!p0 $0xFFFFF086;
	s6 =	sadd.s32 @!p0 s3, s7;
	s7 =	simm.s32 @!p0 $0x108  }
0x21: {  	s3 =	sadd.s32 s3, s9;
	s6 =	sadd.s32 @!p0 $0x88, s6;
	s7 =	simm.s32 @p2 $0x1082  }
0x22: {  	[simem:s7], [sflag:s8] =	dma.local @!p0 [hbm:s6], $0xF7A  }
0x23: {  	s9 =	sor.u32 $0xD0000000, s2;
	s6 =	simm.s32 $0x108;
	_ =	swait.ge @!p0 [sflag:s8], $0x0  }
0x24: {  	s3 =	sadd.s32 $0x88, s3;
	s6 =	simm.s32 @!p1 $0x1082;
	[sflag:s4] =	ssyncset.s32 $0xFFFFF086  }
0x25: {  	[simem:s6], [sflag:s4] =	dma.local [hbm:s3], $0xF7A  }
0x26: {  	[smem:$0x3F9A] =	sst s1;
	(tag) =	ssettag s2;
	_ =	strace s9  }
0x27: {  	s1 =	sld [smem:$0x3FAA]  }
0x28: {  	s2 =	sld [smem:$0x3FAB]  }
0x29: {  	s4 =	sld [smem:$0x3FAD]  }
0x2a: {  	p0 =	seq.s32 s5, $0x0;
	s5 =	sld [smem:$0x3FAE]  }
0x2b: {  	s6 =	sld [smem:$0x3FAF]  }
0x2c: {  	s7 =	sld [smem:$0x3FB0]  }
0x2d: {  	s3 =	simm.s32 $0x108;
	s8 =	sld [smem:$0x3FB1]  }
0x2e: {  	s3 =	simm.s32 @!p0 $0x1082;
	s9 =	sld [smem:$0x3FB2]  }
0x2f: {  	lr =	sadd.s32 s0, s3;
	s0 =	sld [smem:$0x3FA9]  }
0x30: {  	s3 =	sld [smem:$0x3FAC]  }
0x31: {  	[smem:$0x3FB5] =	sst s10  }
0x32: {  	s10 =	sld [smem:$0x3FB3];
	_ =	sdelay $0x3  }
0x33: {  	p0 =	seq.s32 s10, $0x1;
	s10 =	sld [smem:$0x3FB5];
	_ =	sdelay $0x3  }
0x34: {  	[smem:$0x3FB5] =	sst s10  }
0x35: {  	s10 =	sld [smem:$0x3FB4];
	_ =	sdelay $0x3  }
0x36: {  	p1 =	seq.s32 s10, $0x1;
	s10 =	sld [smem:$0x3FB5];
	_ =	sdelay $0x3  }
0x37: {  	[smem:$0x3FB5] =	sst s10  }
0x38: {  	s10 =	sld [smem:$0x3FB6]  }
0x39: {  	_ = 	snop;
	(pc) =	sbr.ind lr, $3  }
0x3a: {  	_ = 	snop  }
0x3b: {  	_ = 	snop  }
0x3c: {  	p2 =	seq.s32 s10, $0x1;
	s10 =	sld [smem:$0x3FB5]  }
0x3d: {  	_ =	shalt  }
0x3e: {  	_ =	shalt  }
0x3f: {  	_ =	shalt  }
0x40: {  	_ =	shalt  }
0x41: {  	_ =	shalt  }
0x42: {  	_ =	shalt  }
0x43: {  	_ =	shalt  }
0x44: {  	_ =	shalt  }
0x45: {  	_ =	shalt  }
0x46: {  	_ =	shalt  }
0x47: {  	_ =	shalt  }
0x48: {  	_ =	shalt  }
0x49: {  	_ =	shalt  }
0x4a: {  	_ =	shalt  }
0x4b: {  	_ =	shalt  }
0x4c: {  	_ =	shalt  }
0x4d: {  	_ =	shalt  }
0x4e: {  	_ =	shalt  }
0x4f: {  	_ =	shalt  }
0x50: {  	_ =	shalt  }
0x51: {  	_ =	shalt  }
0x52: {  	_ =	shalt  }
0x53: {  	_ =	shalt  }
0x54: {  	_ =	shalt  }
0x55: {  	_ =	shalt  }
0x56: {  	_ =	shalt  }
0x57: {  	_ =	shalt  }
0x58: {  	_ =	shalt  }
0x59: {  	_ =	shalt  }
0x5a: {  	_ =	shalt  }
0x5b: {  	_ =	shalt  }
0x5c: {  	_ =	shalt  }
0x5d: {  	_ =	shalt  }
0x5e: {  	_ =	shalt  }
0x5f: {  	_ =	shalt  }
0x60: {  	_ =	shalt  }
0x61: {  	_ =	shalt  }
0x62: {  	_ =	shalt  }
0x63: {  	_ =	shalt  }
0x64: {  	_ =	shalt  }
0x65: {  	_ =	shalt  }
0x66: {  	_ =	shalt  }
0x67: {  	_ =	shalt  }
0x68: {  	_ =	shalt  }
0x69: {  	_ =	shalt  }
0x6a: {  	_ =	shalt  }
0x6b: {  	_ =	shalt  }
0x6c: {  	_ =	shalt  }
0x6d: {  	_ =	shalt  }
0x6e: {  	_ =	shalt  }
0x6f: {  	_ =	shalt  }
0x70: {  	_ =	shalt  }
0x71: {  	_ =	shalt  }
0x72: {  	_ =	shalt  }
0x73: {  	_ =	shalt  }
0x74: {  	_ =	shalt  }
0x75: {  	_ =	shalt  }
0x76: {  	_ =	shalt  }
0x77: {  	_ =	shalt  }
0x78: {  	_ =	shalt  }
0x79: {  	_ =	shalt  }
0x7a: {  	_ =	shalt  }
0x7b: {  	_ =	shalt  }
0x7c: {  	_ =	shalt  }
0x7d: {  	_ =	shalt  }
0x7e: {  	_ =	shalt  }
0x7f: {  	_ =	shalt  }
0x80: {  	_ =	shalt  }
0x81: {  	_ =	shalt  }
0x82: {  	_ =	shalt  }
0x83: {  	_ =	shalt  }
0x84: {  	_ =	shalt  }
0x85: {  	_ =	shalt  }
0x86: {  	_ =	shalt  }
0x87: {  	_ =	shalt  }
.Lfunc_end0:
.L_simem_size_0:
called_computation_lowered:
.L_overlay_start_0:
0x88: {  	s2 =	sld [smem:$0x3FD9]  }
0x89: {  	s3 =	sld [smem:$0x3FFE];
	_ =	sdelay $0x1  }
0x8a: {  	s1 =	srdreg.scid  }
0x8b: {  	s0 =	sand.u32 $0x1, s1  }
0x8c: {  	s17 =	sshll.u32 s0, $0xA;
	s2 =	sadd.s32 s3, s2  }
0x8d: {  	s2 =	sadd.s32 s2, s17  }
0x8e: {  	[smem:$0x3FC1] =	sst s2  }
0x8f: {  	_ = 	snop  }
0x90: {  	s2 =	sld [smem:$0x3FC9]  }
0x91: {  	s18 =	sld [smem:$0x3FD0];
	(tm) =	ssettm $0x1  }
0x92: {  	s4 =	sld [smem:$0x3FFB];
	_ =	sdelay $0x3  }
0x93: {  	_ =	strace s4  }
0x94: {  	s4 =	sld [smem:$0x3FFC];
	_ =	sdelay $0x3  }
0x95: {  	_ =	strace s4  }
0x96: {  	s4 =	sld [smem:$0x3FFD];
	_ =	sdelay $0x3  }
0x97: {  	_ =	strace s4  }
0x98: {  	_ =	strace $0x8FFFFFFF  }
0x99: {  	s19 =	sld [smem:$0x3FDB];
	_ =	sdelay $0x1  }
0x9a: {  	s5 =	simm.s32 $_scs_section_size  }
0x9b: {  	s6 =	simm.s32 $_size__tile_overlayer_lowered;
	s7 =	simm.s32 $_tile_overlayer_lowered  }
0x9c: {  	s22 =	simm.s32 $0x1BFF;
	s21 =	sshll.u32 s7, $0x1;
	s4 =	sadd.s32 s5, s19  }
0x9d: {  	s8 =	simm.s32 $0x0;
	s20 =	sshll.u32 s6, $0x1;
	s6 =	sadd.s32 s21, s4  }
0x9e: {  	[timem:s8], [sflag:s22] =	dma.local [hbm:s6], s20  }
0x9f: {  	_ =	swait.ge [sflag:s22], s20  }
0xa0: {  	s5 =	ssub.s32 $0x0, s20;
	[sflag:s22] =	ssyncset.done $0x0  }
0xa1: {  	[sflag:s22] =	ssyncadd.s32 s5;
	_ =	sdelay $0x1  }
0xa2: {  	s23 =	simm.s32 $0x1B8B  }
0xa3: {  	_ =	swait.ge [sflag:s23], $0x1  }
0xa4: {  	[sflag:s23] =	ssyncset.done $0x0  }
0xa5: {  	s25 =	simm.s32 $0x1B8E;
	s24 =	sld [smem:$0x3FFE];
	[sflag:s23] =	ssyncadd.s32 $0xFFFFFFFF  }
0xa6: {  	s26 =	simm.s32 $execute0_lowered;
	[smem:$0x3FD2] =	sst s25  }
0xa7: {  	s6 =	sshll.u32 s26, $0x1;
	_ =	strace $0x80000046;
	[dreg:$0x1] =	wrdreg $0xFFFFFFFF  }
0xa8: {  	s28 =	simm.s32 $_size_execute0_lowered;
	s4 =	sadd.s32 s4, s6;
	[dreg:$0x0] =	wrdreg $0x0  }
0xa9: {  	s6 =	sshll.u32 s28, $0x1;
	[dreg:$0x2] =	wrdreg s4  }
0xaa: {  	[dreg:$0x3] =	wrdreg s6  }
0xab: {  	[dreg:$0x4] =	wrdreg $0xC0  }
0xac: {  	_ =	task [dreg:s8], $0x5FFFF  }
0xad: {  	[dreg:$0x1] =	wrdreg $0xFFFFFFFF  }
0xae: {  	[dreg:$0x0] =	wrdreg $0x60  }
0xaf: {  	[dreg:$0x2] =	wrdreg s2  }
0xb0: {  	[dreg:$0x3] =	wrdreg s18  }
0xb1: {  	[dreg:$0x4] =	wrdreg s24  }
0xb2: {  	[dreg:$0x5] =	wrdreg $0xBC000  }
0xb3: {  	[dreg:$0x6] =	wrdreg $0x9  }
0xb4: {  	_ =	task.clear_ibuf [dreg:s8], $0x7FFFF;
	_ =	strace $0x90000046  }
0xb5: {  	s29 =	simm.s32 $0x9;
	_ =	strace $0x80000048  }
0xb6: {  	_ =	swait.ge [sflag:s29], $0x1  }
0xb7: {  	[sflag:s29] =	ssyncadd.s32 $0xFFFFFFFF  }
0xb8: {  	_ =	strace $0x90000048  }
0xb9: {  	_ =	sfence  }
0xba: {  	s30 =	sld [smem:$0x0];
	_ =	sdelay $0x2  }
0xbb: {  	s31 =	sshll.u32 s1, $0xD;
	s1 =	sshrl.u32 s1, $0x2  }
0xbc: {  	s3 =	sand.u32 $0x4000, s31;
	s1 =	sadd.s32 s1, s30  }
0xbd: {  	s0 =	sor.u32 s3, s0;
	s1 =	sshll.u32 s1, $0x11  }
0xbe: {  	s0 =	sor.u32 s1, s0  }
0xbf: {  	s0 =	sadd.s32 $0x8F2B, s0  }
0xc0: {  	[sflag:s0] =	ssyncadd.remote.s32 $0x1  }
0xc1: {  	_ =	sfence.sel $0xFFFF  }
0xc2: {  	[dreg:$0x0] =	wrdreg $0xFFFFFFFF;
	(pc) =	sbr.abs _section_cstart, $3  }
0xc3: {  	[dreg:$0x1] =	wrdreg $0xFFFFFFFF  }
0xc4: {  	_ =	task.clear_ibuf [dreg:s8], $0x2FFFF;
	_ =	strace $0x9FFFFFFF  }
0xc5: {  	(tm) =	ssettm $0x7FFFFFFF  }
tec
execute0_lowered:
.L_overlay_start_1:
0x0: {  	(tag) =	ssettag $0x1  }
0x1: {  	s1 =	rddreg [dreg:$0x0]  }
0x2: {  	s0 =	rddreg [dreg:$0x1]  }
0x3: {  	s4 =	rddreg [dreg:$0x2]  }
0x4: {  	s2 =	rddreg [dreg:$0x3];
	s3 =	simm.s32 $0x0;
	s5 =	srdreg.scid  }
0x5: {  	s11 =	stileid.u32;
	s28 =	simm.s32 $0x2000;
	s29 =	simm.s32 $0x80  }
0x6: {  	s30 =	simm.s32 $0x5400;
	s31 =	simm.s32 $0x8800;
	s12 =	simm.s32 $0x0  }
0x7: {  	[smem:$0x7FF] =	sst s3;
	s4 =	sadd.s32 $0x1600, s4;
	s7 =	sand.u32 $0x1, s5  }
0x8: {  	s16 =	smul.u32 $0x4E000, s11;
	s9 =	sshll.u32 s11, $0xB;
	s8 =	sshll.u32 s7, $0xF  }
0x9: {  	s25 =	smul.u32 $0x13800, s11;
	s6 =	ssub.s32 $0x2, s7;
	s8 =	sor.u32 s9, s8  }
0xa: {  	s10 =	sshrl.u32 s6, $0x1;
	s17 =	sshrl.u32 s16, $0x2;
	s5 =	sadd.s32 s0, s8  }
0xb: {  	s10 =	ssub.s32 s6, s10;
	s6 =	sadd.s32 s17, s2;
	s0 =	sadd.s32 $0x10000, s5  }
0xc: {  	_ =	strace $0x80000047;
	s18 =	sadd.s32 $0x3000, s6;
	[dreg:$0x5] =	wrdreg s0  }
0xd: {  	s14 =	sadd.s32 $0x138000, s2;
	s19 =	sadd.s32 $0x6000, s6;
	[dreg:$0x6] =	wrdreg s18  }
0xe: {  	p0 =	sne.s32 s11, $0x0;
	s20 =	sadd.s32 $0x9000, s6;
	[dreg:$0x7] =	wrdreg s19  }
0xf: {  	s11 =	simm.s32 $0x1C00;
	s21 =	sadd.s32 $0xC000, s6;
	[dreg:$0x8] =	wrdreg s20  }
0x10: {  	s22 =	smul.u32 $0x138800, s7;
	s23 =	sadd.s32 $0xF000, s6;
	[dreg:$0x9] =	wrdreg s21  }
0x11: {  	s9 =	simm.s32 $0xB80;
	s24 =	sadd.s32 $0x12000, s6;
	[dreg:$0xa] =	wrdreg s23  }
0x12: {  	s7 =	sadd.s32 s25, s22;
	s8 =	sadd.s32 $0x200, s5;
	[dreg:$0xb] =	wrdreg s24  }
0x13: {  	s25 =	simm.s32 $0x1000;
	s26 =	sadd.s32 $0x10200, s5;
	[dreg:$0xc] =	wrdreg s8  }
0x14: {  	s17 =	sadd.s32 $0x400, s5;
	s7 =	sshrl.u32 s7, $0x3;
	[dreg:$0xd] =	wrdreg s26  }
0x15: {  	s18 =	sadd.s32 $0x10400, s5;
	s19 =	sadd.s32 $0x600, s5;
	s0 =	sshrl.u32 s22, $0x3  }
0x16: {  	s20 =	sadd.s32 $0x10600, s5;
	s21 =	sadd.s32 s4, s7;
	s23 =	smax.u32 s10, $0x1  }
0x17: {  	s24 =	simm.s32 $0x4;
	s26 =	simm.s32 $0x64;
	s7 =	simm.s32 $0x2  }
0x18: {  	s8 =	simm.s32 $0x3;
	s10 =	simm.s32 $0x1B80;
	s0 =	sadd.s32 s4, s0  }
0x19: {  	v0 =	vimm.f32 $0.0e+00;
	s4 =	simm.s32 $0x5;
	s22 =	sadd.s32 $0x27000, s0;
	s0 =	simm.s32 $0x1  }
.LBB2_1:
0x1a: {  	[tilespmem:s3], [sflag:$0x4] =	stream.linear.gather [hbm4b:s5+s3], $0xC80, $0x38;
	[tilespmem:$0x1F480] =	vst v63  }
0x1b: {  	_ =	swait.ge [sflag:s24], $0xC80  }
0x1c: {  	[sflag:s24] =	ssyncset.done $0x0  }
0x1d: {  	s13 =	rddreg [dreg:$0x5];
	[sflag:s24] =	ssyncadd.s32 $0xFFFFF380  }
0x1e: {  	[tilespmem:s25], [sflag:$0x4] =	stream.linear.gather [hbm4b:s13+s3], $0xC80, $0x38;
	[tilespmem:$0x1F480] =	vst v63  }
0x1f: {  	_ =	swait.ge [sflag:s24], $0xC80  }
0x20: {  	[sflag:s24] =	ssyncset.done $0x0  }
0x21: {  	[sflag:s24] =	ssyncadd.s32 $0xFFFFF380  }
0x22: {  	[tilespmem:s28], [sflag:$0x1] =	stream.indirect.gather [hbm4b:s1+s26], $0x80, s3, s26, $0xb8;
	[tilespmem:$0x1F480] =	vst v63  }
0x23: {  	s15 =	simm.s32 $0x200;
	s13 =	simm.s32 $0x0  }
0x24: {  	[tilespmem:s30], [sflag:$0x2] =	stream.indirect.gather [hbm4b:s1+s26], $0x80, s29, s26, $0xb8;
	[tilespmem:$0x1F480] =	vst v63  }
.LBB2_2:
0x25: {  	p1 =	sne.s32 s15, $0xBE00;
	[tilespmem:s13+$0x8870] =	vst v0  }
0x26: {  	[tilespmem:s13+$0x8800] =	vst v0  }
0x27: {  	[tilespmem:s13+$0x8810] =	vst v0  }
.Ltmp0:
0x28: {  	[tilespmem:s13+$0x8820] =	vst v0;
	(pc) =	sbr.rel @p1 .LBB2_2-.Ltmp0, $4  }
0x29: {  	[tilespmem:s13+$0x8830] =	vst v0  }
0x2a: {  	[tilespmem:s13+$0x8840] =	vst v0  }
0x2b: {  	[tilespmem:s13+$0x8850] =	vst v0  }
0x2c: {  	[tilespmem:s13+$0x8860] =	vst v0;
	s13 =	sshra.s32 s15, $0x2;
	s15 =	sadd.s32 $0x200, s15  }
0x2d: {  	[tilespmem:s13+$0x8870] =	vst v0  }
0x2e: {  	[tilespmem:s13+$0x8800] =	vst v0  }
0x2f: {  	[tilespmem:s13+$0x8810] =	vst v0  }
0x30: {  	[tilespmem:s13+$0x8820] =	vst v0  }
0x31: {  	[tilespmem:s13+$0x8830] =	vst v0  }
0x32: {  	[tilespmem:s13+$0x8840] =	vst v0  }
0x33: {  	[tilespmem:s13+$0x8850] =	vst v0  }
0x34: {  	[tilespmem:s13+$0x8860] =	vst v0  }
0x35: {  	[spmem:s6] =	stream.linear.scatter [tilespmem:s31], [sflag:$0x4], $0x3000, $0x38;
	[tilespmem:$0x1F480] =	vst v63  }
0x36: {  	_ =	swait.ge [sflag:s24], $0x3000  }
0x37: {  	[sflag:s24] =	ssyncset.done $0x0  }
0x38: {  	s15 =	rddreg [dreg:$0x6];
	[sflag:s24] =	ssyncadd.s32 $0xFFFFD000  }
0x39: {  	[spmem:s15] =	stream.linear.scatter [tilespmem:s31], [sflag:$0x4], $0x3000, $0x38;
	[tilespmem:$0x1F480] =	vst v63  }
0x3a: {  	_ =	swait.ge [sflag:s24], $0x3000  }
0x3b: {  	[sflag:s24] =	ssyncset.done $0x0  }
0x3c: {  	s16 =	rddreg [dreg:$0x7];
	[sflag:s24] =	ssyncadd.s32 $0xFFFFD000  }
0x3d: {  	[spmem:s16] =	stream.linear.scatter [tilespmem:s31], [sflag:$0x4], $0x3000, $0x38;
	[tilespmem:$0x1F480] =	vst v63  }
0x3e: {  	_ =	swait.ge [sflag:s24], $0x3000  }
0x3f: {  	[sflag:s24] =	ssyncset.done $0x0  }
0x40: {  	s15 =	rddreg [dreg:$0x8];
	[sflag:s24] =	ssyncadd.s32 $0xFFFFD000  }
0x41: {  	[spmem:s15] =	stream.linear.scatter [tilespmem:s31], [sflag:$0x4], $0x3000, $0x38;
	[tilespmem:$0x1F480] =	vst v63  }
0x42: {  	_ =	swait.ge [sflag:s24], $0x3000  }
0x43: {  	[sflag:s24] =	ssyncset.done $0x0  }
0x44: {  	s16 =	rddreg [dreg:$0x9];
	[sflag:s24] =	ssyncadd.s32 $0xFFFFD000  }
0x45: {  	[spmem:s16] =	stream.linear.scatter [tilespmem:s31], [sflag:$0x4], $0x3000, $0x38;
	[tilespmem:$0x1F480] =	vst v63  }
0x46: {  	_ =	swait.ge [sflag:s24], $0x3000  }
0x47: {  	[sflag:s24] =	ssyncset.done $0x0  }
0x48: {  	s15 =	rddreg [dreg:$0xa];
	[sflag:s24] =	ssyncadd.s32 $0xFFFFD000  }
0x49: {  	[spmem:s15] =	stream.linear.scatter [tilespmem:s31], [sflag:$0x4], $0x3000, $0x38;
	[tilespmem:$0x1F480] =	vst v63  }
0x4a: {  	_ =	swait.ge [sflag:s24], $0x3000  }
0x4b: {  	[sflag:s24] =	ssyncset.done $0x0  }
0x4c: {  	s16 =	rddreg [dreg:$0xb];
	[sflag:s24] =	ssyncadd.s32 $0xFFFFD000  }
0x4d: {  	[spmem:s16] =	stream.linear.scatter [tilespmem:s31], [sflag:$0x4], $0x1800, $0x38;
	[tilespmem:$0x1F480] =	vst v63  }
0x4e: {  	_ =	swait.ge [sflag:s24], $0x1800  }
0x4f: {  	[sflag:s24] =	ssyncset.done $0x0  }
0x50: {  	s13 =	simm.s32 @!p0 $0x8800;
	[sflag:s24] =	ssyncadd.s32 $0xFFFFE800  }
0x51: {  	[spmem:s14] =	stream.linear.scatter @!p0 [tilespmem:s13], [sflag:$0x4], $0x800, $0x38;
	[tilespmem:$0x1F480] =	vst v63  }
0x52: {  	s13 =	simm.s32 @!p0 $0x4  }
0x53: {  	_ =	swait.ge @!p0 [sflag:s13], $0x800  }
0x54: {  	[sflag:s13] =	ssyncset.done @!p0 $0x0  }
0x55: {  	[sflag:s13] =	ssyncadd.s32 @!p0 $0xFFFFF800  }
0x56: {  	[bflag:$0x0] =	sbarrier.arrive $0xFFFF  }
0x57: {  	_ =	swait.ge [sflag:s0], $0x3200  }
0x58: {  	[sflag:s0] =	ssyncset.done $0x0  }
0x59: {  	s15 =	simm.s32 $0x100;
	[sflag:s0] =	ssyncadd.s32 $0xFFFFCE00  }
0x5a: {  	[tilespmem:s31], [sflag:$0x3] =	stream.indirect.gather [hbm4b:s1+s26], $0x80, s15, s26, $0xb8;
	[tilespmem:$0x1F480] =	vst v63  }
0x5b: {  	s16 =	simm.s32 $0x1000  }
0x5c: {  	[spmem:s2] =	stream.indirect.scatter.add.f32 [tilespmem:s28], [sflag:$0x5], $0x80, s16, s26, $0xb8;
	[tilespmem:$0x1F480] =	vst v63  }
0x5d: {  	_ =	swait.ge [sflag:s4], $0x3200  }
0x5e: {  	[sflag:s4] =	ssyncset.done $0x0  }
0x5f: {  	[sflag:s4] =	ssyncadd.s32 $0xFFFFCE00  }
0x60: {  	_ =	swait.ge [sflag:s7], $0x3200  }
0x61: {  	[sflag:s7] =	ssyncset.done $0x0  }
0x62: {  	s15 =	simm.s32 $0x180;
	[sflag:s7] =	ssyncadd.s32 $0xFFFFCE00  }
0x63: {  	[tilespmem:s28], [sflag:$0x1] =	stream.indirect.gather [hbm4b:s1+s26], $0x80, s15, s26, $0xb8;
	[tilespmem:$0x1F480] =	vst v63  }
0x64: {  	s16 =	simm.s32 $0x1080  }
0x65: {  	[spmem:s2] =	stream.indirect.scatter.add.f32 [tilespmem:s30], [sflag:$0x5], $0x80, s16, s26, $0xb8;
	[tilespmem:$0x1F480] =	vst v63  }
0x66: {  	_ =	swait.ge [sflag:s4], $0x3200  }
0x67: {  	[sflag:s4] =	ssyncset.done $0x0  }
0x68: {  	[sflag:s4] =	ssyncadd.s32 $0xFFFFCE00  }
0x69: {  	_ =	swait.ge [sflag:s8], $0x3200  }
0x6a: {  	[sflag:s8] =	ssyncset.done $0x0  }
0x6b: {  	s15 =	simm.s32 $0x200;
	[sflag:s8] =	ssyncadd.s32 $0xFFFFCE00  }
0x6c: {  	[tilespmem:s30], [sflag:$0x2] =	stream.indirect.gather [hbm4b:s1+s26], $0x80, s15, s26, $0xb8;
	[tilespmem:$0x1F480] =	vst v63  }
0x6d: {  	s16 =	simm.s32 $0x1100  }
0x6e: {  	[spmem:s2] =	stream.indirect.scatter.add.f32 [tilespmem:s31], [sflag:$0x4], $0x80, s16, s26, $0xb8;
	[tilespmem:$0x1F480] =	vst v63  }
0x6f: {  	_ =	swait.ge [sflag:s24], $0x3200  }
0x70: {  	s13 =	simm.s32 $0x600;
	[sflag:s24] =	ssyncset.done $0x0  }
.LBB2_4:
0x71: {  	[sflag:s24] =	ssyncadd.s32 $0xFFFFCE00;
	s15 =	smov.u32 s13;
	s13 =	sadd.s32 $0x600, s13  }
0x72: {  	p1 =	sne.s32 s13, $0x2A00  }
0x73: {  	_ =	swait.ge [sflag:s0], $0x3200  }
0x74: {  	s15 =	sshra.s32 s15, $0x2;
	[sflag:s0] =	ssyncset.done $0x0  }
0x75: {  	s16 =	sadd.s32 $0x100, s15;
	[sflag:s0] =	ssyncadd.s32 $0xFFFFCE00  }
0x76: {  	[tilespmem:s31], [sflag:$0x3] =	stream.indirect.gather [hbm4b:s1+s26], $0x80, s16, s26, $0xb8;
	[tilespmem:$0x1F480] =	vst v63  }
0x77: {  	s16 =	sadd.s32 $0x1000, s15  }
0x78: {  	[spmem:s2] =	stream.indirect.scatter.add.f32 [tilespmem:s28], [sflag:$0x5], $0x80, s16, s26, $0xb8;
	[tilespmem:$0x1F480] =	vst v63  }
0x79: {  	_ =	swait.ge [sflag:s4], $0x3200  }
0x7a: {  	[sflag:s4] =	ssyncset.done $0x0  }
0x7b: {  	[sflag:s4] =	ssyncadd.s32 $0xFFFFCE00  }
0x7c: {  	_ =	swait.ge [sflag:s7], $0x3200  }
0x7d: {  	[sflag:s7] =	ssyncset.done $0x0  }
0x7e: {  	s16 =	sadd.s32 $0x180, s15;
	[sflag:s7] =	ssyncadd.s32 $0xFFFFCE00  }
0x7f: {  	[tilespmem:s28], [sflag:$0x1] =	stream.indirect.gather [hbm4b:s1+s26], $0x80, s16, s26, $0xb8;
	[tilespmem:$0x1F480] =	vst v63  }
0x80: {  	s16 =	sadd.s32 $0x1080, s15  }
0x81: {  	[spmem:s2] =	stream.indirect.scatter.add.f32 [tilespmem:s30], [sflag:$0x5], $0x80, s16, s26, $0xb8;
	[tilespmem:$0x1F480] =	vst v63  }
0x82: {  	_ =	swait.ge [sflag:s4], $0x3200  }
0x83: {  	[sflag:s4] =	ssyncset.done $0x0  }
0x84: {  	[sflag:s4] =	ssyncadd.s32 $0xFFFFCE00  }
0x85: {  	_ =	swait.ge [sflag:s8], $0x3200  }
0x86: {  	[sflag:s8] =	ssyncset.done $0x0  }
0x87: {  	s16 =	sadd.s32 $0x200, s15;
	[sflag:s8] =	ssyncadd.s32 $0xFFFFCE00  }
0x88: {  	[tilespmem:s30], [sflag:$0x2] =	stream.indirect.gather [hbm4b:s1+s26], $0x80, s16, s26, $0xb8;
	[tilespmem:$0x1F480] =	vst v63  }
.Ltmp1:
0x89: {  	_ = 	snop;
	(pc) =	sbr.rel @p1 .LBB2_4-.Ltmp1, $4  }
0x8a: {  	s15 =	sadd.s32 $0x1100, s15  }
0x8b: {  	[spmem:s2] =	stream.indirect.scatter.add.f32 [tilespmem:s31], [sflag:$0x4], $0x80, s15, s26, $0xb8;
	[tilespmem:$0x1F480] =	vst v63  }
0x8c: {  	_ =	swait.ge [sflag:s24], $0x3200  }
0x8d: {  	[sflag:s24] =	ssyncset.done $0x0  }
0x8e: {  	[sflag:s24] =	ssyncadd.s32 $0xFFFFCE00  }
0x8f: {  	_ =	swait.ge [sflag:s0], $0x3200  }
0x90: {  	[sflag:s0] =	ssyncset.done $0x0  }
0x91: {  	s13 =	sshra.s32 s13, $0x2;
	[sflag:s0] =	ssyncadd.s32 $0xFFFFCE00  }
0x92: {  	[tilespmem:s31], [sflag:$0x3] =	stream.indirect.gather [hbm4b:s1+s26], $0x80, s9, s26, $0xb8;
	[tilespmem:$0x1F480] =	vst v63  }
0x93: {  	s15 =	sadd.s32 $0x1000, s13  }
0x94: {  	[spmem:s2] =	stream.indirect.scatter.add.f32 [tilespmem:s28], [sflag:$0x5], $0x80, s15, s26, $0xb8;
	[tilespmem:$0x1F480] =	vst v63  }
0x95: {  	_ =	swait.ge [sflag:s4], $0x3200  }
0x96: {  	[sflag:s4] =	ssyncset.done $0x0  }
0x97: {  	[sflag:s4] =	ssyncadd.s32 $0xFFFFCE00  }
0x98: {  	_ =	swait.ge [sflag:s7], $0x3200  }
0x99: {  	[sflag:s7] =	ssyncset.done $0x0  }
0x9a: {  	s16 =	sadd.s32 $0x180, s13;
	[sflag:s7] =	ssyncadd.s32 $0xFFFFCE00  }
0x9b: {  	[tilespmem:s28], [sflag:$0x1] =	stream.indirect.gather [hbm4b:s1+s26], $0x80, s16, s26, $0xb8;
	[tilespmem:$0x1F480] =	vst v63  }
0x9c: {  	s13 =	sadd.s32 $0x1080, s13  }
0x9d: {  	[spmem:s2] =	stream.indirect.scatter.add.f32 [tilespmem:s30], [sflag:$0x5], $0x80, s13, s26, $0xb8;
	[tilespmem:$0x1F480] =	vst v63  }
0x9e: {  	_ =	swait.ge [sflag:s4], $0x3200  }
0x9f: {  	[sflag:s4] =	ssyncset.done $0x0  }
0xa0: {  	[sflag:s4] =	ssyncadd.s32 $0xFFFFCE00  }
0xa1: {  	_ =	swait.ge [sflag:s8], $0x3200  }
0xa2: {  	[sflag:s8] =	ssyncset.done $0x0  }
0xa3: {  	[sflag:s8] =	ssyncadd.s32 $0xFFFFCE00  }
0xa4: {  	[spmem:s2] =	stream.indirect.scatter.add.f32 [tilespmem:s31], [sflag:$0x4], $0x80, s10, s26, $0xb8;
	[tilespmem:$0x1F480] =	vst v63  }
0xa5: {  	_ =	swait.ge [sflag:s24], $0x3200  }
0xa6: {  	[sflag:s24] =	ssyncset.done $0x0  }
0xa7: {  	[sflag:s24] =	ssyncadd.s32 $0xFFFFCE00  }
0xa8: {  	_ =	swait.ge [sflag:s0], $0x3200  }
0xa9: {  	[sflag:s0] =	ssyncset.done $0x0  }
0xaa: {  	[sflag:s0] =	ssyncadd.s32 $0xFFFFCE00  }
0xab: {  	[spmem:s2] =	stream.indirect.scatter.add.f32 [tilespmem:s28], [sflag:$0x5], $0x80, s11, s26, $0xb8;
	[tilespmem:$0x1F480] =	vst v63  }
0xac: {  	_ =	swait.ge [sflag:s4], $0x3200  }
0xad: {  	[sflag:s4] =	ssyncset.done $0x0  }
0xae: {  	s13 =	simm.s32 $0x0;
	s16 =	rddreg [dreg:$0xc];
	[sflag:s4] =	ssyncadd.s32 $0xFFFFCE00  }
0xaf: {  	[tilespmem:s13], [sflag:$0x4] =	stream.linear.gather [hbm4b:s16+s13], $0xC80, $0x38;
	[tilespmem:$0x1F480] =	vst v63  }
0xb0: {  	_ =	swait.ge [sflag:s24], $0xC80  }
0xb1: {  	[sflag:s24] =	ssyncset.done $0x0  }
0xb2: {  	s16 =	rddreg [dreg:$0xd];
	[sflag:s24] =	ssyncadd.s32 $0xFFFFF380  }
0xb3: {  	[tilespmem:s25], [sflag:$0x4] =	stream.linear.gather [hbm4b:s16+s13], $0xC80, $0x38;
	[tilespmem:$0x1F480] =	vst v63  }
0xb4: {  	_ =	swait.ge [sflag:s24], $0xC80  }
0xb5: {  	[sflag:s24] =	ssyncset.done $0x0  }
0xb6: {  	[sflag:s24] =	ssyncadd.s32 $0xFFFFF380  }
0xb7: {  	[tilespmem:s28], [sflag:$0x1] =	stream.indirect.gather [hbm4b:s1+s26], $0x80, s13, s26, $0xb8;
	[tilespmem:$0x1F480] =	vst v63  }
0xb8: {  	_ = 	snop  }
0xb9: {  	[tilespmem:s30], [sflag:$0x2] =	stream.indirect.gather [hbm4b:s1+s26], $0x80, s29, s26, $0xb8;
	[tilespmem:$0x1F480] =	vst v63  }
0xba: {  	_ =	swait.ge [sflag:s0], $0x3200  }
0xbb: {  	[sflag:s0] =	ssyncset.done $0x0  }
0xbc: {  	s15 =	simm.s32 $0x100;
	[sflag:s0] =	ssyncadd.s32 $0xFFFFCE00  }
0xbd: {  	[tilespmem:s31], [sflag:$0x3] =	stream.indirect.gather [hbm4b:s1+s26], $0x80, s15, s26, $0xb8;
	[tilespmem:$0x1F480] =	vst v63  }
0xbe: {  	s16 =	simm.s32 $0x1000  }
0xbf: {  	[spmem:s2] =	stream.indirect.scatter.add.f32 [tilespmem:s28], [sflag:$0x5], $0x80, s16, s26, $0xb8;
	[tilespmem:$0x1F480] =	vst v63  }
0xc0: {  	_ =	swait.ge [sflag:s4], $0x3200  }
0xc1: {  	[sflag:s4] =	ssyncset.done $0x0  }
0xc2: {  	[sflag:s4] =	ssyncadd.s32 $0xFFFFCE00  }
0xc3: {  	_ =	swait.ge [sflag:s7], $0x3200  }
0xc4: {  	[sflag:s7] =	ssyncset.done $0x0  }
0xc5: {  	s15 =	simm.s32 $0x180;
	[sflag:s7] =	ssyncadd.s32 $0xFFFFCE00  }
0xc6: {  	[tilespmem:s28], [sflag:$0x1] =	stream.indirect.gather [hbm4b:s1+s26], $0x80, s15, s26, $0xb8;
	[tilespmem:$0x1F480] =	vst v63  }
0xc7: {  	s16 =	simm.s32 $0x1080  }
0xc8: {  	[spmem:s2] =	stream.indirect.scatter.add.f32 [tilespmem:s30], [sflag:$0x5], $0x80, s16, s26, $0xb8;
	[tilespmem:$0x1F480] =	vst v63  }
0xc9: {  	_ =	swait.ge [sflag:s4], $0x3200  }
0xca: {  	[sflag:s4] =	ssyncset.done $0x0  }
0xcb: {  	[sflag:s4] =	ssyncadd.s32 $0xFFFFCE00  }
0xcc: {  	_ =	swait.ge [sflag:s8], $0x3200  }
0xcd: {  	[sflag:s8] =	ssyncset.done $0x0  }
0xce: {  	s15 =	simm.s32 $0x200;
	[sflag:s8] =	ssyncadd.s32 $0xFFFFCE00  }
0xcf: {  	[tilespmem:s30], [sflag:$0x2] =	stream.indirect.gather [hbm4b:s1+s26], $0x80, s15, s26, $0xb8;
	[tilespmem:$0x1F480] =	vst v63  }
0xd0: {  	s16 =	simm.s32 $0x1100  }
0xd1: {  	[spmem:s2] =	stream.indirect.scatter.add.f32 [tilespmem:s31], [sflag:$0x4], $0x80, s16, s26, $0xb8;
	[tilespmem:$0x1F480] =	vst v63  }
0xd2: {  	_ =	swait.ge [sflag:s24], $0x3200  }
0xd3: {  	s13 =	simm.s32 $0x600;
	[sflag:s24] =	ssyncset.done $0x0  }
.LBB2_6:
0xd4: {  	[sflag:s24] =	ssyncadd.s32 $0xFFFFCE00;
	s15 =	smov.u32 s13;
	s13 =	sadd.s32 $0x600, s13  }
0xd5: {  	p1 =	sne.s32 s13, $0x2A00  }
0xd6: {  	_ =	swait.ge [sflag:s0], $0x3200  }
0xd7: {  	s15 =	sshra.s32 s15, $0x2;
	[sflag:s0] =	ssyncset.done $0x0  }
0xd8: {  	s16 =	sadd.s32 $0x100, s15;
	[sflag:s0] =	ssyncadd.s32 $0xFFFFCE00  }
0xd9: {  	[tilespmem:s31], [sflag:$0x3] =	stream.indirect.gather [hbm4b:s1+s26], $0x80, s16, s26, $0xb8;
	[tilespmem:$0x1F480] =	vst v63  }
0xda: {  	s16 =	sadd.s32 $0x1000, s15  }
0xdb: {  	[spmem:s2] =	stream.indirect.scatter.add.f32 [tilespmem:s28], [sflag:$0x5], $0x80, s16, s26, $0xb8;
	[tilespmem:$0x1F480] =	vst v63  }
0xdc: {  	_ =	swait.ge [sflag:s4], $0x3200  }
0xdd: {  	[sflag:s4] =	ssyncset.done $0x0  }
0xde: {  	[sflag:s4] =	ssyncadd.s32 $0xFFFFCE00  }
0xdf: {  	_ =	swait.ge [sflag:s7], $0x3200  }
0xe0: {  	[sflag:s7] =	ssyncset.done $0x0  }
0xe1: {  	s16 =	sadd.s32 $0x180, s15;
	[sflag:s7] =	ssyncadd.s32 $0xFFFFCE00  }
0xe2: {  	[tilespmem:s28], [sflag:$0x1] =	stream.indirect.gather [hbm4b:s1+s26], $0x80, s16, s26, $0xb8;
	[tilespmem:$0x1F480] =	vst v63  }
0xe3: {  	s16 =	sadd.s32 $0x1080, s15  }
0xe4: {  	[spmem:s2] =	stream.indirect.scatter.add.f32 [tilespmem:s30], [sflag:$0x5], $0x80, s16, s26, $0xb8;
	[tilespmem:$0x1F480] =	vst v63  }
0xe5: {  	_ =	swait.ge [sflag:s4], $0x3200  }
0xe6: {  	[sflag:s4] =	ssyncset.done $0x0  }
0xe7: {  	[sflag:s4] =	ssyncadd.s32 $0xFFFFCE00  }
0xe8: {  	_ =	swait.ge [sflag:s8], $0x3200  }
0xe9: {  	[sflag:s8] =	ssyncset.done $0x0  }
0xea: {  	s16 =	sadd.s32 $0x200, s15;
	[sflag:s8] =	ssyncadd.s32 $0xFFFFCE00  }
0xeb: {  	[tilespmem:s30], [sflag:$0x2] =	stream.indirect.gather [hbm4b:s1+s26], $0x80, s16, s26, $0xb8;
	[tilespmem:$0x1F480] =	vst v63  }
.Ltmp2:
0xec: {  	_ = 	snop;
	(pc) =	sbr.rel @p1 .LBB2_6-.Ltmp2, $4  }
0xed: {  	s15 =	sadd.s32 $0x1100, s15  }
0xee: {  	[spmem:s2] =	stream.indirect.scatter.add.f32 [tilespmem:s31], [sflag:$0x4], $0x80, s15, s26, $0xb8;
	[tilespmem:$0x1F480] =	vst v63  }
0xef: {  	_ =	swait.ge [sflag:s24], $0x3200  }
0xf0: {  	[sflag:s24] =	ssyncset.done $0x0  }
0xf1: {  	[sflag:s24] =	ssyncadd.s32 $0xFFFFCE00  }
0xf2: {  	_ =	swait.ge [sflag:s0], $0x3200  }
0xf3: {  	[sflag:s0] =	ssyncset.done $0x0  }
0xf4: {  	s13 =	sshra.s32 s13, $0x2;
	[sflag:s0] =	ssyncadd.s32 $0xFFFFCE00  }
0xf5: {  	[tilespmem:s31], [sflag:$0x3] =	stream.indirect.gather [hbm4b:s1+s26], $0x80, s9, s26, $0xb8;
	[tilespmem:$0x1F480] =	vst v63  }
0xf6: {  	s15 =	sadd.s32 $0x1000, s13  }
0xf7: {  	[spmem:s2] =	stream.indirect.scatter.add.f32 [tilespmem:s28], [sflag:$0x5], $0x80, s15, s26, $0xb8;
	[tilespmem:$0x1F480] =	vst v63  }
0xf8: {  	_ =	swait.ge [sflag:s4], $0x3200  }
0xf9: {  	[sflag:s4] =	ssyncset.done $0x0  }
0xfa: {  	[sflag:s4] =	ssyncadd.s32 $0xFFFFCE00  }
0xfb: {  	_ =	swait.ge [sflag:s7], $0x3200  }
0xfc: {  	[sflag:s7] =	ssyncset.done $0x0  }
0xfd: {  	s16 =	sadd.s32 $0x180, s13;
	[sflag:s7] =	ssyncadd.s32 $0xFFFFCE00  }
0xfe: {  	[tilespmem:s28], [sflag:$0x1] =	stream.indirect.gather [hbm4b:s1+s26], $0x80, s16, s26, $0xb8;
	[tilespmem:$0x1F480] =	vst v63  }
0xff: {  	s13 =	sadd.s32 $0x1080, s13  }
0x100: {  	[spmem:s2] =	stream.indirect.scatter.add.f32 [tilespmem:s30], [sflag:$0x5], $0x80, s13, s26, $0xb8;
	[tilespmem:$0x1F480] =	vst v63  }
0x101: {  	_ =	swait.ge [sflag:s4], $0x3200  }
0x102: {  	[sflag:s4] =	ssyncset.done $0x0  }
0x103: {  	[sflag:s4] =	ssyncadd.s32 $0xFFFFCE00  }
0x104: {  	_ =	swait.ge [sflag:s8], $0x3200  }
0x105: {  	[sflag:s8] =	ssyncset.done $0x0  }
0x106: {  	[sflag:s8] =	ssyncadd.s32 $0xFFFFCE00  }
0x107: {  	[spmem:s2] =	stream.indirect.scatter.add.f32 [tilespmem:s31], [sflag:$0x4], $0x80, s10, s26, $0xb8;
	[tilespmem:$0x1F480] =	vst v63  }
0x108: {  	_ =	swait.ge [sflag:s24], $0x3200  }
0x109: {  	[sflag:s24] =	ssyncset.done $0x0  }
0x10a: {  	[sflag:s24] =	ssyncadd.s32 $0xFFFFCE00  }
0x10b: {  	_ =	swait.ge [sflag:s0], $0x3200  }
0x10c: {  	[sflag:s0] =	ssyncset.done $0x0  }
0x10d: {  	[sflag:s0] =	ssyncadd.s32 $0xFFFFCE00  }
0x10e: {  	[spmem:s2] =	stream.indirect.scatter.add.f32 [tilespmem:s28], [sflag:$0x5], $0x80, s11, s26, $0xb8;
	[tilespmem:$0x1F480] =	vst v63  }
0x10f: {  	_ =	swait.ge [sflag:s4], $0x3200  }
0x110: {  	[sflag:s4] =	ssyncset.done $0x0  }
0x111: {  	s16 =	simm.s32 $0x0;
	[sflag:s4] =	ssyncadd.s32 $0xFFFFCE00  }
0x112: {  	[tilespmem:s16], [sflag:$0x4] =	stream.linear.gather [hbm4b:s17+s16], $0xC80, $0x38;
	[tilespmem:$0x1F480] =	vst v63  }
0x113: {  	_ =	swait.ge [sflag:s24], $0xC80  }
0x114: {  	[sflag:s24] =	ssyncset.done $0x0  }
0x115: {  	[sflag:s24] =	ssyncadd.s32 $0xFFFFF380  }
0x116: {  	[tilespmem:s25], [sflag:$0x4] =	stream.linear.gather [hbm4b:s18+s16], $0xC80, $0x38;
	[tilespmem:$0x1F480] =	vst v63  }
0x117: {  	_ =	swait.ge [sflag:s24], $0xC80  }
0x118: {  	[sflag:s24] =	ssyncset.done $0x0  }
0x119: {  	[sflag:s24] =	ssyncadd.s32 $0xFFFFF380  }
0x11a: {  	[tilespmem:s28], [sflag:$0x1] =	stream.indirect.gather [hbm4b:s1+s26], $0x80, s16, s26, $0xb8;
	[tilespmem:$0x1F480] =	vst v63  }
0x11b: {  	_ = 	snop  }
0x11c: {  	[tilespmem:s30], [sflag:$0x2] =	stream.indirect.gather [hbm4b:s1+s26], $0x80, s29, s26, $0xb8;
	[tilespmem:$0x1F480] =	vst v63  }
0x11d: {  	_ =	swait.ge [sflag:s0], $0x3200  }
0x11e: {  	[sflag:s0] =	ssyncset.done $0x0  }
0x11f: {  	s15 =	simm.s32 $0x100;
	[sflag:s0] =	ssyncadd.s32 $0xFFFFCE00  }
0x120: {  	[tilespmem:s31], [sflag:$0x3] =	stream.indirect.gather [hbm4b:s1+s26], $0x80, s15, s26, $0xb8;
	[tilespmem:$0x1F480] =	vst v63  }
0x121: {  	s16 =	simm.s32 $0x1000  }
0x122: {  	[spmem:s2] =	stream.indirect.scatter.add.f32 [tilespmem:s28], [sflag:$0x5], $0x80, s16, s26, $0xb8;
	[tilespmem:$0x1F480] =	vst v63  }
0x123: {  	_ =	swait.ge [sflag:s4], $0x3200  }
0x124: {  	[sflag:s4] =	ssyncset.done $0x0  }
0x125: {  	[sflag:s4] =	ssyncadd.s32 $0xFFFFCE00  }
0x126: {  	_ =	swait.ge [sflag:s7], $0x3200  }
0x127: {  	[sflag:s7] =	ssyncset.done $0x0  }
0x128: {  	s15 =	simm.s32 $0x180;
	[sflag:s7] =	ssyncadd.s32 $0xFFFFCE00  }
0x129: {  	[tilespmem:s28], [sflag:$0x1] =	stream.indirect.gather [hbm4b:s1+s26], $0x80, s15, s26, $0xb8;
	[tilespmem:$0x1F480] =	vst v63  }
0x12a: {  	s16 =	simm.s32 $0x1080  }
0x12b: {  	[spmem:s2] =	stream.indirect.scatter.add.f32 [tilespmem:s30], [sflag:$0x5], $0x80, s16, s26, $0xb8;
	[tilespmem:$0x1F480] =	vst v63  }
0x12c: {  	_ =	swait.ge [sflag:s4], $0x3200  }
0x12d: {  	[sflag:s4] =	ssyncset.done $0x0  }
0x12e: {  	[sflag:s4] =	ssyncadd.s32 $0xFFFFCE00  }
0x12f: {  	_ =	swait.ge [sflag:s8], $0x3200  }
0x130: {  	[sflag:s8] =	ssyncset.done $0x0  }
0x131: {  	s15 =	simm.s32 $0x200;
	[sflag:s8] =	ssyncadd.s32 $0xFFFFCE00  }
0x132: {  	[tilespmem:s30], [sflag:$0x2] =	stream.indirect.gather [hbm4b:s1+s26], $0x80, s15, s26, $0xb8;
	[tilespmem:$0x1F480] =	vst v63  }
0x133: {  	s16 =	simm.s32 $0x1100  }
0x134: {  	[spmem:s2] =	stream.indirect.scatter.add.f32 [tilespmem:s31], [sflag:$0x4], $0x80, s16, s26, $0xb8;
	[tilespmem:$0x1F480] =	vst v63  }
0x135: {  	_ =	swait.ge [sflag:s24], $0x3200  }
0x136: {  	s13 =	simm.s32 $0x600;
	[sflag:s24] =	ssyncset.done $0x0  }
.LBB2_8:
0x137: {  	[sflag:s24] =	ssyncadd.s32 $0xFFFFCE00;
	s15 =	smov.u32 s13;
	s13 =	sadd.s32 $0x600, s13  }
0x138: {  	p1 =	sne.s32 s13, $0x2A00  }
0x139: {  	_ =	swait.ge [sflag:s0], $0x3200  }
0x13a: {  	s15 =	sshra.s32 s15, $0x2;
	[sflag:s0] =	ssyncset.done $0x0  }
0x13b: {  	s16 =	sadd.s32 $0x100, s15;
	[sflag:s0] =	ssyncadd.s32 $0xFFFFCE00  }
0x13c: {  	[tilespmem:s31], [sflag:$0x3] =	stream.indirect.gather [hbm4b:s1+s26], $0x80, s16, s26, $0xb8;
	[tilespmem:$0x1F480] =	vst v63  }
0x13d: {  	s16 =	sadd.s32 $0x1000, s15  }
0x13e: {  	[spmem:s2] =	stream.indirect.scatter.add.f32 [tilespmem:s28], [sflag:$0x5], $0x80, s16, s26, $0xb8;
	[tilespmem:$0x1F480] =	vst v63  }
0x13f: {  	_ =	swait.ge [sflag:s4], $0x3200  }
0x140: {  	[sflag:s4] =	ssyncset.done $0x0  }
0x141: {  	[sflag:s4] =	ssyncadd.s32 $0xFFFFCE00  }
0x142: {  	_ =	swait.ge [sflag:s7], $0x3200  }
0x143: {  	[sflag:s7] =	ssyncset.done $0x0  }
0x144: {  	s16 =	sadd.s32 $0x180, s15;
	[sflag:s7] =	ssyncadd.s32 $0xFFFFCE00  }
0x145: {  	[tilespmem:s28], [sflag:$0x1] =	stream.indirect.gather [hbm4b:s1+s26], $0x80, s16, s26, $0xb8;
	[tilespmem:$0x1F480] =	vst v63  }
0x146: {  	s16 =	sadd.s32 $0x1080, s15  }
0x147: {  	[spmem:s2] =	stream.indirect.scatter.add.f32 [tilespmem:s30], [sflag:$0x5], $0x80, s16, s26, $0xb8;
	[tilespmem:$0x1F480] =	vst v63  }
0x148: {  	_ =	swait.ge [sflag:s4], $0x3200  }
0x149: {  	[sflag:s4] =	ssyncset.done $0x0  }
0x14a: {  	[sflag:s4] =	ssyncadd.s32 $0xFFFFCE00  }
0x14b: {  	_ =	swait.ge [sflag:s8], $0x3200  }
0x14c: {  	[sflag:s8] =	ssyncset.done $0x0  }
0x14d: {  	s16 =	sadd.s32 $0x200, s15;
	[sflag:s8] =	ssyncadd.s32 $0xFFFFCE00  }
0x14e: {  	[tilespmem:s30], [sflag:$0x2] =	stream.indirect.gather [hbm4b:s1+s26], $0x80, s16, s26, $0xb8;
	[tilespmem:$0x1F480] =	vst v63  }
.Ltmp3:
0x14f: {  	_ = 	snop;
	(pc) =	sbr.rel @p1 .LBB2_8-.Ltmp3, $4  }
0x150: {  	s15 =	sadd.s32 $0x1100, s15  }
0x151: {  	[spmem:s2] =	stream.indirect.scatter.add.f32 [tilespmem:s31], [sflag:$0x4], $0x80, s15, s26, $0xb8;
	[tilespmem:$0x1F480] =	vst v63  }
0x152: {  	_ =	swait.ge [sflag:s24], $0x3200  }
0x153: {  	[sflag:s24] =	ssyncset.done $0x0  }
0x154: {  	[sflag:s24] =	ssyncadd.s32 $0xFFFFCE00  }
0x155: {  	_ =	swait.ge [sflag:s0], $0x3200  }
0x156: {  	[sflag:s0] =	ssyncset.done $0x0  }
0x157: {  	s13 =	sshra.s32 s13, $0x2;
	[sflag:s0] =	ssyncadd.s32 $0xFFFFCE00  }
0x158: {  	[tilespmem:s31], [sflag:$0x3] =	stream.indirect.gather [hbm4b:s1+s26], $0x80, s9, s26, $0xb8;
	[tilespmem:$0x1F480] =	vst v63  }
0x159: {  	s15 =	sadd.s32 $0x1000, s13  }
0x15a: {  	[spmem:s2] =	stream.indirect.scatter.add.f32 [tilespmem:s28], [sflag:$0x5], $0x80, s15, s26, $0xb8;
	[tilespmem:$0x1F480] =	vst v63  }
0x15b: {  	_ =	swait.ge [sflag:s4], $0x3200  }
0x15c: {  	[sflag:s4] =	ssyncset.done $0x0  }
0x15d: {  	[sflag:s4] =	ssyncadd.s32 $0xFFFFCE00  }
0x15e: {  	_ =	swait.ge [sflag:s7], $0x3200  }
0x15f: {  	[sflag:s7] =	ssyncset.done $0x0  }
0x160: {  	s16 =	sadd.s32 $0x180, s13;
	[sflag:s7] =	ssyncadd.s32 $0xFFFFCE00  }
0x161: {  	[tilespmem:s28], [sflag:$0x1] =	stream.indirect.gather [hbm4b:s1+s26], $0x80, s16, s26, $0xb8;
	[tilespmem:$0x1F480] =	vst v63  }
0x162: {  	s13 =	sadd.s32 $0x1080, s13  }
0x163: {  	[spmem:s2] =	stream.indirect.scatter.add.f32 [tilespmem:s30], [sflag:$0x5], $0x80, s13, s26, $0xb8;
	[tilespmem:$0x1F480] =	vst v63  }
0x164: {  	_ =	swait.ge [sflag:s4], $0x3200  }
0x165: {  	[sflag:s4] =	ssyncset.done $0x0  }
0x166: {  	[sflag:s4] =	ssyncadd.s32 $0xFFFFCE00  }
0x167: {  	_ =	swait.ge [sflag:s8], $0x3200  }
0x168: {  	[sflag:s8] =	ssyncset.done $0x0  }
0x169: {  	[sflag:s8] =	ssyncadd.s32 $0xFFFFCE00  }
0x16a: {  	[spmem:s2] =	stream.indirect.scatter.add.f32 [tilespmem:s31], [sflag:$0x4], $0x80, s10, s26, $0xb8;
	[tilespmem:$0x1F480] =	vst v63  }
0x16b: {  	_ =	swait.ge [sflag:s24], $0x3200  }
0x16c: {  	[sflag:s24] =	ssyncset.done $0x0  }
0x16d: {  	[sflag:s24] =	ssyncadd.s32 $0xFFFFCE00  }
0x16e: {  	_ =	swait.ge [sflag:s0], $0x3200  }
0x16f: {  	[sflag:s0] =	ssyncset.done $0x0  }
0x170: {  	[sflag:s0] =	ssyncadd.s32 $0xFFFFCE00  }
0x171: {  	[spmem:s2] =	stream.indirect.scatter.add.f32 [tilespmem:s28], [sflag:$0x5], $0x80, s11, s26, $0xb8;
	[tilespmem:$0x1F480] =	vst v63  }
0x172: {  	_ =	swait.ge [sflag:s4], $0x3200  }
0x173: {  	[sflag:s4] =	ssyncset.done $0x0  }
0x174: {  	s16 =	simm.s32 $0x0;
	[sflag:s4] =	ssyncadd.s32 $0xFFFFCE00  }
0x175: {  	[tilespmem:s16], [sflag:$0x4] =	stream.linear.gather [hbm4b:s19+s16], $0xC80, $0x38;
	[tilespmem:$0x1F480] =	vst v63  }
0x176: {  	_ =	swait.ge [sflag:s24], $0xC80  }
0x177: {  	[sflag:s24] =	ssyncset.done $0x0  }
0x178: {  	[sflag:s24] =	ssyncadd.s32 $0xFFFFF380  }
0x179: {  	[tilespmem:s25], [sflag:$0x4] =	stream.linear.gather [hbm4b:s20+s16], $0xC80, $0x38;
	[tilespmem:$0x1F480] =	vst v63  }
0x17a: {  	_ =	swait.ge [sflag:s24], $0xC80  }
0x17b: {  	[sflag:s24] =	ssyncset.done $0x0  }
0x17c: {  	[sflag:s24] =	ssyncadd.s32 $0xFFFFF380  }
0x17d: {  	[tilespmem:s28], [sflag:$0x1] =	stream.indirect.gather [hbm4b:s1+s26], $0x80, s16, s26, $0xb8;
	[tilespmem:$0x1F480] =	vst v63  }
0x17e: {  	_ = 	snop  }
0x17f: {  	[tilespmem:s30], [sflag:$0x2] =	stream.indirect.gather [hbm4b:s1+s26], $0x80, s29, s26, $0xb8;
	[tilespmem:$0x1F480] =	vst v63  }
0x180: {  	_ =	swait.ge [sflag:s0], $0x3200  }
0x181: {  	[sflag:s0] =	ssyncset.done $0x0  }
0x182: {  	s15 =	simm.s32 $0x100;
	[sflag:s0] =	ssyncadd.s32 $0xFFFFCE00  }
0x183: {  	[tilespmem:s31], [sflag:$0x3] =	stream.indirect.gather [hbm4b:s1+s26], $0x80, s15, s26, $0xb8;
	[tilespmem:$0x1F480] =	vst v63  }
0x184: {  	s16 =	simm.s32 $0x1000  }
0x185: {  	[spmem:s2] =	stream.indirect.scatter.add.f32 [tilespmem:s28], [sflag:$0x5], $0x80, s16, s26, $0xb8;
	[tilespmem:$0x1F480] =	vst v63  }
0x186: {  	_ =	swait.ge [sflag:s4], $0x3200  }
0x187: {  	[sflag:s4] =	ssyncset.done $0x0  }
0x188: {  	[sflag:s4] =	ssyncadd.s32 $0xFFFFCE00  }
0x189: {  	_ =	swait.ge [sflag:s7], $0x3200  }
0x18a: {  	[sflag:s7] =	ssyncset.done $0x0  }
0x18b: {  	s15 =	simm.s32 $0x180;
	[sflag:s7] =	ssyncadd.s32 $0xFFFFCE00  }
0x18c: {  	[tilespmem:s28], [sflag:$0x1] =	stream.indirect.gather [hbm4b:s1+s26], $0x80, s15, s26, $0xb8;
	[tilespmem:$0x1F480] =	vst v63  }
0x18d: {  	s16 =	simm.s32 $0x1080  }
0x18e: {  	[spmem:s2] =	stream.indirect.scatter.add.f32 [tilespmem:s30], [sflag:$0x5], $0x80, s16, s26, $0xb8;
	[tilespmem:$0x1F480] =	vst v63  }
0x18f: {  	_ =	swait.ge [sflag:s4], $0x3200  }
0x190: {  	[sflag:s4] =	ssyncset.done $0x0  }
0x191: {  	[sflag:s4] =	ssyncadd.s32 $0xFFFFCE00  }
0x192: {  	_ =	swait.ge [sflag:s8], $0x3200  }
0x193: {  	[sflag:s8] =	ssyncset.done $0x0  }
0x194: {  	s15 =	simm.s32 $0x200;
	[sflag:s8] =	ssyncadd.s32 $0xFFFFCE00  }
0x195: {  	[tilespmem:s30], [sflag:$0x2] =	stream.indirect.gather [hbm4b:s1+s26], $0x80, s15, s26, $0xb8;
	[tilespmem:$0x1F480] =	vst v63  }
0x196: {  	s16 =	simm.s32 $0x1100  }
0x197: {  	[spmem:s2] =	stream.indirect.scatter.add.f32 [tilespmem:s31], [sflag:$0x4], $0x80, s16, s26, $0xb8;
	[tilespmem:$0x1F480] =	vst v63  }
0x198: {  	_ =	swait.ge [sflag:s24], $0x3200  }
0x199: {  	s13 =	simm.s32 $0x600;
	[sflag:s24] =	ssyncset.done $0x0  }
.LBB2_10:
0x19a: {  	[sflag:s24] =	ssyncadd.s32 $0xFFFFCE00;
	s15 =	smov.u32 s13;
	s13 =	sadd.s32 $0x600, s13  }
0x19b: {  	p1 =	sne.s32 s13, $0x2A00  }
0x19c: {  	_ =	swait.ge [sflag:s0], $0x3200  }
0x19d: {  	s15 =	sshra.s32 s15, $0x2;
	[sflag:s0] =	ssyncset.done $0x0  }
0x19e: {  	s16 =	sadd.s32 $0x100, s15;
	[sflag:s0] =	ssyncadd.s32 $0xFFFFCE00  }
0x19f: {  	[tilespmem:s31], [sflag:$0x3] =	stream.indirect.gather [hbm4b:s1+s26], $0x80, s16, s26, $0xb8;
	[tilespmem:$0x1F480] =	vst v63  }
0x1a0: {  	s16 =	sadd.s32 $0x1000, s15  }
0x1a1: {  	[spmem:s2] =	stream.indirect.scatter.add.f32 [tilespmem:s28], [sflag:$0x5], $0x80, s16, s26, $0xb8;
	[tilespmem:$0x1F480] =	vst v63  }
0x1a2: {  	_ =	swait.ge [sflag:s4], $0x3200  }
0x1a3: {  	[sflag:s4] =	ssyncset.done $0x0  }
0x1a4: {  	[sflag:s4] =	ssyncadd.s32 $0xFFFFCE00  }
0x1a5: {  	_ =	swait.ge [sflag:s7], $0x3200  }
0x1a6: {  	[sflag:s7] =	ssyncset.done $0x0  }
0x1a7: {  	s16 =	sadd.s32 $0x180, s15;
	[sflag:s7] =	ssyncadd.s32 $0xFFFFCE00  }
0x1a8: {  	[tilespmem:s28], [sflag:$0x1] =	stream.indirect.gather [hbm4b:s1+s26], $0x80, s16, s26, $0xb8;
	[tilespmem:$0x1F480] =	vst v63  }
0x1a9: {  	s16 =	sadd.s32 $0x1080, s15  }
0x1aa: {  	[spmem:s2] =	stream.indirect.scatter.add.f32 [tilespmem:s30], [sflag:$0x5], $0x80, s16, s26, $0xb8;
	[tilespmem:$0x1F480] =	vst v63  }
0x1ab: {  	_ =	swait.ge [sflag:s4], $0x3200  }
0x1ac: {  	[sflag:s4] =	ssyncset.done $0x0  }
0x1ad: {  	[sflag:s4] =	ssyncadd.s32 $0xFFFFCE00  }
0x1ae: {  	_ =	swait.ge [sflag:s8], $0x3200  }
0x1af: {  	[sflag:s8] =	ssyncset.done $0x0  }
0x1b0: {  	s16 =	sadd.s32 $0x200, s15;
	[sflag:s8] =	ssyncadd.s32 $0xFFFFCE00  }
0x1b1: {  	[tilespmem:s30], [sflag:$0x2] =	stream.indirect.gather [hbm4b:s1+s26], $0x80, s16, s26, $0xb8;
	[tilespmem:$0x1F480] =	vst v63  }
.Ltmp4:
0x1b2: {  	_ = 	snop;
	(pc) =	sbr.rel @p1 .LBB2_10-.Ltmp4, $4  }
0x1b3: {  	s15 =	sadd.s32 $0x1100, s15  }
0x1b4: {  	[spmem:s2] =	stream.indirect.scatter.add.f32 [tilespmem:s31], [sflag:$0x4], $0x80, s15, s26, $0xb8;
	[tilespmem:$0x1F480] =	vst v63  }
0x1b5: {  	_ =	swait.ge [sflag:s24], $0x3200  }
0x1b6: {  	[sflag:s24] =	ssyncset.done $0x0  }
0x1b7: {  	[sflag:s24] =	ssyncadd.s32 $0xFFFFCE00  }
0x1b8: {  	_ =	swait.ge [sflag:s0], $0x3200  }
0x1b9: {  	[sflag:s0] =	ssyncset.done $0x0  }
0x1ba: {  	s13 =	sshra.s32 s13, $0x2;
	[sflag:s0] =	ssyncadd.s32 $0xFFFFCE00  }
0x1bb: {  	[tilespmem:s31], [sflag:$0x3] =	stream.indirect.gather [hbm4b:s1+s26], $0x80, s9, s26, $0xb8;
	[tilespmem:$0x1F480] =	vst v63  }
0x1bc: {  	s15 =	sadd.s32 $0x1000, s13  }
0x1bd: {  	[spmem:s2] =	stream.indirect.scatter.add.f32 [tilespmem:s28], [sflag:$0x5], $0x80, s15, s26, $0xb8;
	[tilespmem:$0x1F480] =	vst v63  }
0x1be: {  	_ =	swait.ge [sflag:s4], $0x3200  }
0x1bf: {  	[sflag:s4] =	ssyncset.done $0x0  }
0x1c0: {  	[sflag:s4] =	ssyncadd.s32 $0xFFFFCE00  }
0x1c1: {  	_ =	swait.ge [sflag:s7], $0x3200  }
0x1c2: {  	[sflag:s7] =	ssyncset.done $0x0  }
0x1c3: {  	s16 =	sadd.s32 $0x180, s13;
	[sflag:s7] =	ssyncadd.s32 $0xFFFFCE00  }
0x1c4: {  	[tilespmem:s28], [sflag:$0x1] =	stream.indirect.gather [hbm4b:s1+s26], $0x80, s16, s26, $0xb8;
	[tilespmem:$0x1F480] =	vst v63  }
0x1c5: {  	s13 =	sadd.s32 $0x1080, s13  }
0x1c6: {  	[spmem:s2] =	stream.indirect.scatter.add.f32 [tilespmem:s30], [sflag:$0x5], $0x80, s13, s26, $0xb8;
	[tilespmem:$0x1F480] =	vst v63  }
0x1c7: {  	_ =	swait.ge [sflag:s4], $0x3200  }
0x1c8: {  	[sflag:s4] =	ssyncset.done $0x0  }
0x1c9: {  	[sflag:s4] =	ssyncadd.s32 $0xFFFFCE00  }
0x1ca: {  	_ =	swait.ge [sflag:s8], $0x3200  }
0x1cb: {  	[sflag:s8] =	ssyncset.done $0x0  }
0x1cc: {  	[sflag:s8] =	ssyncadd.s32 $0xFFFFCE00  }
0x1cd: {  	[spmem:s2] =	stream.indirect.scatter.add.f32 [tilespmem:s31], [sflag:$0x4], $0x80, s10, s26, $0xb8;
	[tilespmem:$0x1F480] =	vst v63  }
0x1ce: {  	_ =	swait.ge [sflag:s24], $0x3200  }
0x1cf: {  	[sflag:s24] =	ssyncset.done $0x0  }
0x1d0: {  	[sflag:s24] =	ssyncadd.s32 $0xFFFFCE00  }
0x1d1: {  	_ =	swait.ge [sflag:s0], $0x3200  }
0x1d2: {  	[sflag:s0] =	ssyncset.done $0x0  }
0x1d3: {  	[sflag:s0] =	ssyncadd.s32 $0xFFFFCE00  }
0x1d4: {  	[spmem:s2] =	stream.indirect.scatter.add.f32 [tilespmem:s28], [sflag:$0x5], $0x80, s11, s26, $0xb8;
	[tilespmem:$0x1F480] =	vst v63  }
0x1d5: {  	_ =	swait.ge [sflag:s4], $0x3200  }
0x1d6: {  	s15 =	stileid.u32;
	[sflag:s4] =	ssyncset.done $0x0  }
0x1d7: {  	s13 =	sshll.u32 s15, $0x6;
	[sflag:s4] =	ssyncadd.s32 $0xFFFFCE00  }
0x1d8: {  	s16 =	sshrl.u32 s6, $0x3;
	s13 =	sor.u32 $0x1C04, s13;
	[bflag:$0x0] =	sbarrier.arrive $0xFFFF  }
0x1d9: {  	[hbm:s21], [sflag:s13] =	dma.local [spmem:s16], $0x2700  }
0x1da: {  	_ =	swait.ge [sflag:s24], $0x2700  }
0x1db: {  	s12 =	sadd.s32 $0x1, s12;
	[sflag:s24] =	ssyncset.done $0x0  }
0x1dc: {  	p1 =	sne.s32 s12, s23;
	s15 =	sshrl.u32 @!p0 s14, $0x3;
	[sflag:s24] =	ssyncadd.s32 $0xFFFFD900  }
0x1dd: {  	[hbm:s22], [sflag:s13] =	dma.local @!p0 [spmem:s15], $0x100  }
.Ltmp5:
0x1de: {  	_ = 	snop;
	(pc) =	sbr.rel @p1 .LBB2_1-.Ltmp5, $4  }
0x1df: {  	s13 =	simm.s32 @!p0 $0x4  }
0x1e0: {  	_ =	swait.ge @!p0 [sflag:s13], $0x100  }
0x1e1: {  	[sflag:s13] =	ssyncset.done @!p0 $0x0  }
0x1e2: {  	[sflag:s13] =	ssyncadd.s32 @!p0 $0xFFFFFF00  }
0x1e3: {  	_ =	sfence.sel $0x180000  }
0x1e4: {  	[bflag:$0x0] =	sbarrier.arrive $0xFFFF  }
0x1e5: {  	_ =	strace $0x90000047  }
0x1e6: {  	[bflag:$0x2] =	sbarrier.arrive $0xFFFF  }
0x1e7: {  	s0 =	rddreg [dreg:$0x4]  }
0x1e8: {  	s0 =	sadd.s32 @!p0 $0x100000, s0  }
0x1e9: {  	[sflag:s0] =	ssyncadd.tile.s32 @!p0 $0x1;
	_ =	shalt  }
.Lfunc_end2:
_tile_overlayer_lowered:
.L_overlay_start_2:
0x1ea: {  	(tag) =	ssettag $0x2  }
0x1eb: {  	s0 =	rddreg [dreg:$0x0];
	s2 =	stileid.u32  }
0x1ec: {  	s1 =	rddreg [dreg:$0x1];
	p0 =	sne.s32 s2, $0x0  }
0x1ed: {  	s3 =	rddreg [dreg:$0x2];
	[bflag:$0x3] =	sbarrier.arrive $0xFFFF;
	s2 =	simm.s32 @!p0 $0x1C04  }
0x1ee: {  	[timem:s3], [sflag:s2] =	dma.local @!p0 [hbm:s0], s1  }
0x1ef: {  	s0 =	simm.s32 @!p0 $0x4  }
0x1f0: {  	_ =	swait.ge @!p0 [sflag:s0], s1  }
0x1f1: {  	s1 =	ssub.s32 @!p0 $0x0, s1;
	[sflag:s0] =	ssyncset.done @!p0 $0x0  }
0x1f2: {  	[sflag:s0] =	ssyncadd.s32 @!p0 s1  }
0x1f3: {  	[bflag:$0x3] =	sbarrier.arrive $0xFFFF  }
0x1f4: {  	_ =	shalt  }

</sc_bundles>
